<compile_context>
chip_gen: v7x
topology: tpu7x:2x2x1
jax: 0.10.2.dev20260603
libtpu: 0.0.44.dev20260713+nightly
codegen_flags: <defaults>
</compile_context>

<pallas_src>
import jax
import jax.numpy as jnp
from jax import lax
from jax.experimental import pallas as pl
from jax.experimental.pallas import tpu as pltpu
from jax.experimental.pallas import tpu_sc as plsc

NUM_NODES = 10000
NUM_EDGES = 320000
D = 128
NC = 2
NS = 16
NW = NC * NS
HC = 80
CPT = NUM_EDGES // NW // HC
UPT = 2 * CPT
KB_ = 2
NBODY = UPT // KB_
SWU = 10
IDXR = 2 * SWU
SWB = SWU // KB_
NSL = NUM_NODES // HC
HCH = 80
CPH = NUM_EDGES // NS // HCH

_LANES = 16
_mesh = plsc.VectorSubcoreMesh(core_axis_name="c", subcore_axis_name="s")


def _fill_f32(ref, n, value):
    v = jnp.full((_LANES,), value, jnp.float32)
    for k in range(n // _LANES):
        ref[pl.ds(k * _LANES, _LANES)] = v


def _hist_body(ep_hbm, deg_hbm, idx2, vbuf, hist, sem):
    c = lax.axis_index("c")
    s = lax.axis_index("s")
    _fill_f32(vbuf, HCH, 0.0)
    for t in range(8):
        j = t * NS + s

        @pl.when(j < NUM_NODES // HCH)
        def _():
            pltpu.sync_copy(vbuf, hist.at[pl.ds(j * HCH, HCH)])

    plsc.subcore_barrier()
    _fill_f32(vbuf, HCH, 1.0)
    row0 = (c * NS + s) * CPH
    pltpu.sync_copy(ep_hbm.at[pl.ds(row0, CPH)], idx2)

    def fire(j, carry):
        pltpu.async_copy(vbuf, hist.at[idx2.at[j, 0]], sem, add=True)
        return carry

    lax.fori_loop(0, CPH, fire, 0)

    def drain(j, carry):
        pltpu.make_async_copy(vbuf, hist.at[idx2.at[j, 0]], sem).wait()
        return carry

    lax.fori_loop(0, CPH, drain, 0)
    plsc.subcore_barrier()

    @pl.when(s == 0)
    def _():
        pltpu.sync_copy(hist, deg_hbm.at[c])


def _prop_body(y_hbm, g_hbm, s_hbm, p_hbm, gbuf, sbuf, r0, r1,
               acc, sem_i, sem_j, sem_z,
               gs0, gs1, ss0, ss1):
    c = lax.axis_index("c")
    s = lax.axis_index("s")
    wid = c * NS + s
    base = wid * UPT
    bufs = (r0, r1)
    gsem = (gs0, gs1)
    ssem = (ss0, ss1)

    pltpu.sync_copy(g_hbm.at[pl.ds(base, SWU)], gbuf.at[pl.ds(0, SWU)])
    pltpu.sync_copy(s_hbm.at[pl.ds(base, SWU)], sbuf.at[pl.ds(0, SWU)])
    pltpu.async_copy(g_hbm.at[pl.ds(base + SWU, SWU)],
                     gbuf.at[pl.ds(SWU, SWU)], sem_i)
    pltpu.async_copy(s_hbm.at[pl.ds(base + SWU, SWU)],
                     sbuf.at[pl.ds(SWU, SWU)], sem_j)

    def zrow(i, carry):
        for k in range(D // _LANES):
            r0[i, pl.ds(k * _LANES, _LANES)] = jnp.zeros((_LANES,),
                                                         jnp.float32)
        return carry

    lax.fori_loop(0, HC, zrow, 0)
    for t in range(8):
        j = t * NS + s

        @pl.when(j < NSL)
        def _():
            pltpu.async_copy(r0, acc.at[pl.ds(j * HC, HC)], sem_z)

    for t in range(8):
        j = t * NS + s

        @pl.when(j < NSL)
        def _():
            pltpu.make_async_copy(r0, acc.at[pl.ds(j * HC, HC)],
                                  sem_z).wait()

    plsc.subcore_barrier()

    def body(g, carry):
        u0 = g * KB_
        for i in range(KB_):
            u = u0 - KB_ + i
            ur = lax.rem(u + UPT, IDXR)

            @pl.when(g > 0)
            def _():
                pltpu.make_async_copy(bufs[i], acc.at[sbuf.at[ur, 0]],
                                      ssem[i]).wait()

        at_switch = jnp.logical_and(lax.rem(g, SWB) == 0, g > 0)

        @pl.when(at_switch)
        def _():
            pltpu.make_async_copy(
                g_hbm.at[pl.ds(base + u0, SWU)],
                gbuf.at[pl.ds(lax.rem(u0, IDXR), SWU)], sem_i).wait()
            pltpu.make_async_copy(
                s_hbm.at[pl.ds(base + u0, SWU)],
                sbuf.at[pl.ds(lax.rem(u0, IDXR), SWU)], sem_j).wait()

        @pl.when(jnp.logical_and(at_switch, g < NBODY - SWB))
        def _():
            nxt = u0 + SWU
            pltpu.async_copy(g_hbm.at[pl.ds(base + nxt, SWU)],
                             gbuf.at[pl.ds(lax.rem(nxt, IDXR), SWU)],
                             sem_i)
            pltpu.async_copy(s_hbm.at[pl.ds(base + nxt, SWU)],
                             sbuf.at[pl.ds(lax.rem(nxt, IDXR), SWU)],
                             sem_j)

        for i in range(KB_):
            u = u0 + i
            pltpu.async_copy(y_hbm.at[gbuf.at[lax.rem(u, IDXR), 0]],
                             bufs[i], gsem[i])
        for i in range(KB_):
            u = u0 + i
            pltpu.make_async_copy(y_hbm.at[gbuf.at[lax.rem(u, IDXR), 0]],
                                  bufs[i], gsem[i]).wait()
            pltpu.async_copy(bufs[i],
                             acc.at[sbuf.at[lax.rem(u, IDXR), 0]],
                             ssem[i], add=True)
        return carry

    lax.fori_loop(0, NBODY, body, 0)
    for i in range(KB_):
        u = (NBODY - 1) * KB_ + i
        pltpu.make_async_copy(bufs[i],
                              acc.at[sbuf.at[lax.rem(u, IDXR), 0]],
                              ssem[i]).wait()
    plsc.subcore_barrier()
    for t in range(8):
        j = t * NS + s

        @pl.when(j < NSL)
        def _():
            pltpu.async_copy(acc.at[pl.ds(j * HC, HC)],
                             p_hbm.at[c, pl.ds(j * HC, HC)], sem_z)

    for t in range(8):
        j = t * NS + s

        @pl.when(j < NSL)
        def _():
            pltpu.make_async_copy(acc.at[pl.ds(j * HC, HC)],
                                  p_hbm.at[c, pl.ds(j * HC, HC)],
                                  sem_z).wait()


def _scale_body(degt_ref, x_ref, y_ref):
    d = degt_ref[:, 0:1] + degt_ref[:, 1:2]
    r = lax.rsqrt(jnp.maximum(d, 1.0))
    y_ref[...] = r * x_ref[...]


def _final_body(degt_ref, p_ref, o_ref):
    d = degt_ref[:, 0:1] + degt_ref[:, 1:2]
    r = lax.rsqrt(jnp.maximum(d, 1.0))
    o_ref[...] = r * (p_ref[0] + p_ref[1])


_hist = pl.kernel(
    _hist_body,
    out_type=jax.ShapeDtypeStruct((NC, NUM_NODES), jnp.float32),
    mesh=_mesh,
    scratch_types=[
        pltpu.VMEM((CPH, 1, HCH), jnp.int32),
        pltpu.VMEM((HCH,), jnp.float32),
        pltpu.VMEM_SHARED((NUM_NODES,), jnp.float32),
        pltpu.SemaphoreType.DMA,
    ],
)

_prop = pl.kernel(
    _prop_body,
    out_type=jax.ShapeDtypeStruct((NC, NUM_NODES, D), jnp.float32),
    mesh=_mesh,
    scratch_types=(
        [pltpu.VMEM((IDXR, 1, HC), jnp.int32)] * 2
        + [pltpu.VMEM((HC, D), jnp.float32)] * KB_
        + [pltpu.VMEM_SHARED((NUM_NODES, D), jnp.float32)]
        + [pltpu.SemaphoreType.DMA] * (3 + 2 * KB_)
    ),
)

_scale = pl.pallas_call(
    _scale_body,
    out_shape=jax.ShapeDtypeStruct((NUM_NODES, D), jnp.float32),
)

_final = pl.pallas_call(
    _final_body,
    out_shape=jax.ShapeDtypeStruct((NUM_NODES, D), jnp.float32),
)


@jax.jit
def kernel(x, edge_index):
    ei = edge_index.astype(jnp.int32)
    src3 = ei[0].reshape(NW, CPT, HC)
    dst3 = ei[1].reshape(NW, CPT, HC)
    garr = jnp.concatenate([dst3, src3], axis=1).reshape(NW * UPT, 1, HC)
    sarr = jnp.concatenate([src3, dst3], axis=1).reshape(NW * UPT, 1, HC)
    ep2 = ei.reshape(2 * NUM_EDGES // HCH, 1, HCH)
    deg_part = _hist(ep2)
    degt = deg_part.T
    y = _scale(degt, x)
    p = _prop(y, garr, sarr)
    return _final(degt, p)

# --- scband reference (transcript-rebuilt; emitter-appended) ---
"""Pipeline reference for scband-sparse-prop-47665547051029 (READ-ONLY COPY).

The authoritative reference and input builder live on the scoring server;
editing this copy changes nothing except your own understanding.
"""

import jax, jax.numpy as jnp
import numpy as np

NUM_NODES = 10000
NUM_EDGES = 320000
D_FEAT = 128


def setup_inputs(seed: int = 0) -> dict:
    key = jax.random.key(seed)
    kx, ke = jax.random.split(key)
    x = jax.random.normal(kx, (NUM_NODES, D_FEAT), dtype=jnp.float32)
    edge_index = jax.random.randint(ke, (2, NUM_EDGES), 0, NUM_NODES, dtype=jnp.int64)
    return {"x": x, "edge_index": edge_index}


def reference(x, edge_index):
    num_nodes = x.shape[0]
    # symmetrize: concat edges with flipped direction (edge_index.flip(0))
    idx = jnp.concatenate([edge_index, edge_index[::-1, :]], axis=1)
    row = idx[0]
    col = idx[1]
    # degree from row indices, clamp(min=1)
    deg = jnp.bincount(row, length=num_nodes).astype(jnp.float32)
    deg = jnp.maximum(deg, 1.0)
    di = jax.lax.rsqrt(deg[row])
    dj = jax.lax.rsqrt(deg[col])
    val = di * dj
    # sparse.mm(A, x): out[i] = sum_j A[i,j] * x[j] -> gather on col, scatter-add on row
    msgs = val[:, None] * jnp.take(x, col, axis=0)
    out = jax.ops.segment_sum(msgs, row, num_segments=num_nodes)
    return out

if __name__ == "__main__":
    import jax
    _d = setup_inputs()
    print(jax.jit(kernel)(*tuple(_d.values())))

</pallas_src>

<mosaic_0001>
#map = affine_map<(d0, d1) -> (0, 0)>
#map1 = affine_map<(d0, d1) -> (0, 0, 0)>
module attributes {stable_mosaic.version = 14 : i64} {
  func.func @_prop_body(%arg0: i32, %arg1: i32, %arg2: memref<10000x128xf32, #tpu.memory_space<hbm>>, %arg3: memref<8000x1x80xi32, #tpu.memory_space<hbm>>, %arg4: memref<8000x1x80xi32, #tpu.memory_space<hbm>>, %arg5: memref<2x10000x128xf32, #tpu.memory_space<hbm>>, %arg6: memref<20x1x80xi32, #tpu.memory_space<vmem>>, %arg7: memref<20x1x80xi32, #tpu.memory_space<vmem>>, %arg8: memref<80x128xf32, #tpu.memory_space<vmem>>, %arg9: memref<80x128xf32, #tpu.memory_space<vmem>>, %arg10: memref<10000x128xf32, #tpu.memory_space<vmem_shared>>, %arg11: memref<!tpu.dma_semaphore, #tpu.memory_space<semaphore_mem>>, %arg12: memref<!tpu.dma_semaphore, #tpu.memory_space<semaphore_mem>>, %arg13: memref<!tpu.dma_semaphore, #tpu.memory_space<semaphore_mem>>, %arg14: memref<!tpu.dma_semaphore, #tpu.memory_space<semaphore_mem>>, %arg15: memref<!tpu.dma_semaphore, #tpu.memory_space<semaphore_mem>>, %arg16: memref<!tpu.dma_semaphore, #tpu.memory_space<semaphore_mem>>, %arg17: memref<!tpu.dma_semaphore, #tpu.memory_space<semaphore_mem>>) attributes {dimension_semantics = [#tpu.dimension_semantics<core_parallel>, #tpu.dimension_semantics<subcore_parallel>], iteration_bounds = array<i64: 2, 16>, scalar_prefetch = 0 : i64, scratch_operands = 12 : i64, tpu.core_type = #tpu.core_type<sc_vector_subcore>, window_params = [{transform_indices = #map}, {transform_indices = #map1}, {transform_indices = #map1}, {transform_indices = #map1}]} {
    %mul3A = arith.constant 16 : i32
    %mul3A_0 = arith.muli %arg0, %mul3A : i32
    %add3A = arith.addi %mul3A_0, %arg1 : i32
    %mul3A_1 = arith.constant 250 : i32
    %mul3A_2 = arith.muli %add3A, %mul3A_1 : i32
    "tpu.region"() ({
      %run_scoped3A = tpu.sem_alloc : memref<!tpu.dma_semaphore, #tpu.memory_space<semaphore_mem>>
      %dma_start3A_285 = arith.constant 0 : i32
      %dma_start3A_286 = arith.constant 0 : i32
      %dma_start3A_287 = arith.constant 0 : i32
      %dma_start3A_288 = tpu.memref_slice %arg6[%dma_start3A_285, %dma_start3A_286, %dma_start3A_287] : memref<20x1x80xi32, #tpu.memory_space<vmem>> -> memref<10x1x80xi32, #tpu.memory_space<vmem>>
      %dma_start3A_289 = arith.constant 0 : i32
      %dma_start3A_290 = arith.constant 0 : i32
      %dma_start3A_291 = tpu.memref_slice %arg3[%mul3A_2, %dma_start3A_289, %dma_start3A_290] : memref<8000x1x80xi32, #tpu.memory_space<hbm>> -> memref<10x1x80xi32, #tpu.memory_space<hbm>>
      %dma_start3A_292 = arith.constant 0 : i32
      %dma_start3A_293 = arith.constant 0 : i32
      %dma_start3A_294 = arith.constant 0 : i32
      %dma_start3A_295 = tpu.memref_slice %arg6[%dma_start3A_292, %dma_start3A_293, %dma_start3A_294] : memref<20x1x80xi32, #tpu.memory_space<vmem>> -> memref<10x1x80xi32, #tpu.memory_space<vmem>>
      %dma_start3A_296 = arith.constant 0 : i32
      %dma_start3A_297 = arith.constant 0 : i32
      %dma_start3A_298 = tpu.memref_slice %arg3[%mul3A_2, %dma_start3A_296, %dma_start3A_297] : memref<8000x1x80xi32, #tpu.memory_space<hbm>> -> memref<10x1x80xi32, #tpu.memory_space<hbm>>
      tpu.enqueue_dma source(%dma_start3A_298 : memref<10x1x80xi32, #tpu.memory_space<hbm>>) target(%dma_start3A_295 : memref<10x1x80xi32, #tpu.memory_space<vmem>>) target_semaphore(%run_scoped3A : memref<!tpu.dma_semaphore, #tpu.memory_space<semaphore_mem>>)
      %dma_wait3A_299 = arith.constant 0 : i32
      %dma_wait3A_300 = arith.constant 0 : i32
      %dma_wait3A_301 = arith.constant 0 : i32
      %dma_wait3A_302 = tpu.memref_slice %arg6[%dma_wait3A_299, %dma_wait3A_300, %dma_wait3A_301] : memref<20x1x80xi32, #tpu.memory_space<vmem>> -> memref<10x1x80xi32, #tpu.memory_space<vmem>>
      %dma_wait3A_303 = arith.constant 0 : i32
      %dma_wait3A_304 = arith.constant 0 : i32
      %dma_wait3A_305 = tpu.memref_slice %arg3[%mul3A_2, %dma_wait3A_303, %dma_wait3A_304] : memref<8000x1x80xi32, #tpu.memory_space<hbm>> -> memref<10x1x80xi32, #tpu.memory_space<hbm>>
      %dma_wait3A_306 = arith.constant 0 : i32
      %dma_wait3A_307 = arith.constant 0 : i32
      %dma_wait3A_308 = arith.constant 0 : i32
      %dma_wait3A_309 = tpu.memref_slice %arg6[%dma_wait3A_306, %dma_wait3A_307, %dma_wait3A_308] : memref<20x1x80xi32, #tpu.memory_space<vmem>> -> memref<10x1x80xi32, #tpu.memory_space<vmem>>
      %dma_wait3A_310 = arith.constant 0 : i32
      %dma_wait3A_311 = arith.constant 0 : i32
      %dma_wait3A_312 = tpu.memref_slice %arg3[%mul3A_2, %dma_wait3A_310, %dma_wait3A_311] : memref<8000x1x80xi32, #tpu.memory_space<hbm>> -> memref<10x1x80xi32, #tpu.memory_space<hbm>>
      tpu.wait_dma2 semaphore(%run_scoped3A : memref<!tpu.dma_semaphore, #tpu.memory_space<semaphore_mem>>) src(%dma_wait3A_312 : memref<10x1x80xi32, #tpu.memory_space<hbm>>) dst(%dma_wait3A_309 : memref<10x1x80xi32, #tpu.memory_space<vmem>>)
      tpu.yield
    }) : () -> ()
    "tpu.region"() ({
      %run_scoped3A = tpu.sem_alloc : memref<!tpu.dma_semaphore, #tpu.memory_space<semaphore_mem>>
      %dma_start3A_285 = arith.constant 0 : i32
      %dma_start3A_286 = arith.constant 0 : i32
      %dma_start3A_287 = arith.constant 0 : i32
      %dma_start3A_288 = tpu.memref_slice %arg7[%dma_start3A_285, %dma_start3A_286, %dma_start3A_287] : memref<20x1x80xi32, #tpu.memory_space<vmem>> -> memref<10x1x80xi32, #tpu.memory_space<vmem>>
      %dma_start3A_289 = arith.constant 0 : i32
      %dma_start3A_290 = arith.constant 0 : i32
      %dma_start3A_291 = tpu.memref_slice %arg4[%mul3A_2, %dma_start3A_289, %dma_start3A_290] : memref<8000x1x80xi32, #tpu.memory_space<hbm>> -> memref<10x1x80xi32, #tpu.memory_space<hbm>>
      %dma_start3A_292 = arith.constant 0 : i32
      %dma_start3A_293 = arith.constant 0 : i32
      %dma_start3A_294 = arith.constant 0 : i32
      %dma_start3A_295 = tpu.memref_slice %arg7[%dma_start3A_292, %dma_start3A_293, %dma_start3A_294] : memref<20x1x80xi32, #tpu.memory_space<vmem>> -> memref<10x1x80xi32, #tpu.memory_space<vmem>>
      %dma_start3A_296 = arith.constant 0 : i32
      %dma_start3A_297 = arith.constant 0 : i32
      %dma_start3A_298 = tpu.memref_slice %arg4[%mul3A_2, %dma_start3A_296, %dma_start3A_297] : memref<8000x1x80xi32, #tpu.memory_space<hbm>> -> memref<10x1x80xi32, #tpu.memory_space<hbm>>
      tpu.enqueue_dma source(%dma_start3A_298 : memref<10x1x80xi32, #tpu.memory_space<hbm>>) target(%dma_start3A_295 : memref<10x1x80xi32, #tpu.memory_space<vmem>>) target_semaphore(%run_scoped3A : memref<!tpu.dma_semaphore, #tpu.memory_space<semaphore_mem>>)
      %dma_wait3A_299 = arith.constant 0 : i32
      %dma_wait3A_300 = arith.constant 0 : i32
      %dma_wait3A_301 = arith.constant 0 : i32
      %dma_wait3A_302 = tpu.memref_slice %arg7[%dma_wait3A_299, %dma_wait3A_300, %dma_wait3A_301] : memref<20x1x80xi32, #tpu.memory_space<vmem>> -> memref<10x1x80xi32, #tpu.memory_space<vmem>>
      %dma_wait3A_303 = arith.constant 0 : i32
      %dma_wait3A_304 = arith.constant 0 : i32
      %dma_wait3A_305 = tpu.memref_slice %arg4[%mul3A_2, %dma_wait3A_303, %dma_wait3A_304] : memref<8000x1x80xi32, #tpu.memory_space<hbm>> -> memref<10x1x80xi32, #tpu.memory_space<hbm>>
      %dma_wait3A_306 = arith.constant 0 : i32
      %dma_wait3A_307 = arith.constant 0 : i32
      %dma_wait3A_308 = arith.constant 0 : i32
      %dma_wait3A_309 = tpu.memref_slice %arg7[%dma_wait3A_306, %dma_wait3A_307, %dma_wait3A_308] : memref<20x1x80xi32, #tpu.memory_space<vmem>> -> memref<10x1x80xi32, #tpu.memory_space<vmem>>
      %dma_wait3A_310 = arith.constant 0 : i32
      %dma_wait3A_311 = arith.constant 0 : i32
      %dma_wait3A_312 = tpu.memref_slice %arg4[%mul3A_2, %dma_wait3A_310, %dma_wait3A_311] : memref<8000x1x80xi32, #tpu.memory_space<hbm>> -> memref<10x1x80xi32, #tpu.memory_space<hbm>>
      tpu.wait_dma2 semaphore(%run_scoped3A : memref<!tpu.dma_semaphore, #tpu.memory_space<semaphore_mem>>) src(%dma_wait3A_312 : memref<10x1x80xi32, #tpu.memory_space<hbm>>) dst(%dma_wait3A_309 : memref<10x1x80xi32, #tpu.memory_space<vmem>>)
      tpu.yield
    }) : () -> ()
    %add3A_3 = arith.constant 10 : i32
    %add3A_4 = arith.addi %mul3A_2, %add3A_3 : i32
    %dma_start3A = arith.constant 10 : i32
    %dma_start3A_5 = arith.constant 0 : i32
    %dma_start3A_6 = arith.constant 0 : i32
    %dma_start3A_7 = tpu.memref_slice %arg6[%dma_start3A, %dma_start3A_5, %dma_start3A_6] : memref<20x1x80xi32, #tpu.memory_space<vmem>> -> memref<10x1x80xi32, #tpu.memory_space<vmem>>
    %dma_start3A_8 = arith.constant 0 : i32
    %dma_start3A_9 = arith.constant 0 : i32
    %dma_start3A_10 = tpu.memref_slice %arg3[%add3A_4, %dma_start3A_8, %dma_start3A_9] : memref<8000x1x80xi32, #tpu.memory_space<hbm>> -> memref<10x1x80xi32, #tpu.memory_space<hbm>>
    %dma_start3A_11 = arith.constant 10 : i32
    %dma_start3A_12 = arith.constant 0 : i32
    %dma_start3A_13 = arith.constant 0 : i32
    %dma_start3A_14 = tpu.memref_slice %arg6[%dma_start3A_11, %dma_start3A_12, %dma_start3A_13] : memref<20x1x80xi32, #tpu.memory_space<vmem>> -> memref<10x1x80xi32, #tpu.memory_space<vmem>>
    %dma_start3A_15 = arith.constant 0 : i32
    %dma_start3A_16 = arith.constant 0 : i32
    %dma_start3A_17 = tpu.memref_slice %arg3[%add3A_4, %dma_start3A_15, %dma_start3A_16] : memref<8000x1x80xi32, #tpu.memory_space<hbm>> -> memref<10x1x80xi32, #tpu.memory_space<hbm>>
    tpu.enqueue_dma source(%dma_start3A_17 : memref<10x1x80xi32, #tpu.memory_space<hbm>>) target(%dma_start3A_14 : memref<10x1x80xi32, #tpu.memory_space<vmem>>) target_semaphore(%arg11 : memref<!tpu.dma_semaphore, #tpu.memory_space<semaphore_mem>>)
    %add3A_18 = arith.constant 10 : i32
    %add3A_19 = arith.addi %mul3A_2, %add3A_18 : i32
    %dma_start3A_20 = arith.constant 10 : i32
    %dma_start3A_21 = arith.constant 0 : i32
    %dma_start3A_22 = arith.constant 0 : i32
    %dma_start3A_23 = tpu.memref_slice %arg7[%dma_start3A_20, %dma_start3A_21, %dma_start3A_22] : memref<20x1x80xi32, #tpu.memory_space<vmem>> -> memref<10x1x80xi32, #tpu.memory_space<vmem>>
    %dma_start3A_24 = arith.constant 0 : i32
    %dma_start3A_25 = arith.constant 0 : i32
    %dma_start3A_26 = tpu.memref_slice %arg4[%add3A_19, %dma_start3A_24, %dma_start3A_25] : memref<8000x1x80xi32, #tpu.memory_space<hbm>> -> memref<10x1x80xi32, #tpu.memory_space<hbm>>
    %dma_start3A_27 = arith.constant 10 : i32
    %dma_start3A_28 = arith.constant 0 : i32
    %dma_start3A_29 = arith.constant 0 : i32
    %dma_start3A_30 = tpu.memref_slice %arg7[%dma_start3A_27, %dma_start3A_28, %dma_start3A_29] : memref<20x1x80xi32, #tpu.memory_space<vmem>> -> memref<10x1x80xi32, #tpu.memory_space<vmem>>
    %dma_start3A_31 = arith.constant 0 : i32
    %dma_start3A_32 = arith.constant 0 : i32
    %dma_start3A_33 = tpu.memref_slice %arg4[%add3A_19, %dma_start3A_31, %dma_start3A_32] : memref<8000x1x80xi32, #tpu.memory_space<hbm>> -> memref<10x1x80xi32, #tpu.memory_space<hbm>>
    tpu.enqueue_dma source(%dma_start3A_33 : memref<10x1x80xi32, #tpu.memory_space<hbm>>) target(%dma_start3A_30 : memref<10x1x80xi32, #tpu.memory_space<vmem>>) target_semaphore(%arg12 : memref<!tpu.dma_semaphore, #tpu.memory_space<semaphore_mem>>)
    %scan3A = arith.constant 0 : i32
    %scan3A_34 = arith.constant 0 : i32
    %scan3A_35 = arith.constant 80 : i32
    %scan3A_36 = arith.addi %scan3A_34, %scan3A_35 : i32
    %scan3A_37 = arith.constant 1 : i32
    scf.for %scan3A_285 = %scan3A_34 to %scan3A_36 step %scan3A_37  : i32 {
      %broadcast_in_dim3A = arith.constant 0.000000e+00 : f32
      %broadcast_in_dim3A_286 = vector.broadcast %broadcast_in_dim3A : f32 to vector<16xf32>
      %swap3A = arith.index_cast %scan3A_285 : i32 to index
      %swap3A_287 = arith.constant 0 : index
      %swap3A_288 = tpu.vector_load %arg8[%swap3A, %swap3A_287] {strides = array<i32>} : memref<80x128xf32, #tpu.memory_space<vmem>>, vector<1x16xf32>,
      %swap3A_289 = vector.shape_cast %swap3A_288 : vector<1x16xf32> to vector<16xf32>
      %swap3A_290 = vector.shape_cast %broadcast_in_dim3A_286 : vector<16xf32> to vector<1x16xf32>
      tpu.vector_store %arg8[%swap3A, %swap3A_287], %swap3A_290 {strides = array<i32>} : memref<80x128xf32, #tpu.memory_space<vmem>>, vector<1x16xf32>,
      %broadcast_in_dim3A_291 = arith.constant 0.000000e+00 : f32
      %broadcast_in_dim3A_292 = vector.broadcast %broadcast_in_dim3A_291 : f32 to vector<16xf32>
      %swap3A_293 = arith.index_cast %scan3A_285 : i32 to index
      %swap3A_294 = arith.constant 16 : index
      %swap3A_295 = tpu.vector_load %arg8[%swap3A_293, %swap3A_294] {strides = array<i32>} : memref<80x128xf32, #tpu.memory_space<vmem>>, vector<1x16xf32>,
      %swap3A_296 = vector.shape_cast %swap3A_295 : vector<1x16xf32> to vector<16xf32>
      %swap3A_297 = vector.shape_cast %broadcast_in_dim3A_292 : vector<16xf32> to vector<1x16xf32>
      tpu.vector_store %arg8[%swap3A_293, %swap3A_294], %swap3A_297 {strides = array<i32>} : memref<80x128xf32, #tpu.memory_space<vmem>>, vector<1x16xf32>,
      %broadcast_in_dim3A_298 = arith.constant 0.000000e+00 : f32
      %broadcast_in_dim3A_299 = vector.broadcast %broadcast_in_dim3A_298 : f32 to vector<16xf32>
      %swap3A_300 = arith.index_cast %scan3A_285 : i32 to index
      %swap3A_301 = arith.constant 32 : index
      %swap3A_302 = tpu.vector_load %arg8[%swap3A_300, %swap3A_301] {strides = array<i32>} : memref<80x128xf32, #tpu.memory_space<vmem>>, vector<1x16xf32>,
      %swap3A_303 = vector.shape_cast %swap3A_302 : vector<1x16xf32> to vector<16xf32>
      %swap3A_304 = vector.shape_cast %broadcast_in_dim3A_299 : vector<16xf32> to vector<1x16xf32>
      tpu.vector_store %arg8[%swap3A_300, %swap3A_301], %swap3A_304 {strides = array<i32>} : memref<80x128xf32, #tpu.memory_space<vmem>>, vector<1x16xf32>,
      %broadcast_in_dim3A_305 = arith.constant 0.000000e+00 : f32
      %broadcast_in_dim3A_306 = vector.broadcast %broadcast_in_dim3A_305 : f32 to vector<16xf32>
      %swap3A_307 = arith.index_cast %scan3A_285 : i32 to index
      %swap3A_308 = arith.constant 48 : index
      %swap3A_309 = tpu.vector_load %arg8[%swap3A_307, %swap3A_308] {strides = array<i32>} : memref<80x128xf32, #tpu.memory_space<vmem>>, vector<1x16xf32>,
      %swap3A_310 = vector.shape_cast %swap3A_309 : vector<1x16xf32> to vector<16xf32>
      %swap3A_311 = vector.shape_cast %broadcast_in_dim3A_306 : vector<16xf32> to vector<1x16xf32>
      tpu.vector_store %arg8[%swap3A_307, %swap3A_308], %swap3A_311 {strides = array<i32>} : memref<80x128xf32, #tpu.memory_space<vmem>>, vector<1x16xf32>,
      %broadcast_in_dim3A_312 = arith.constant 0.000000e+00 : f32
      %broadcast_in_dim3A_313 = vector.broadcast %broadcast_in_dim3A_312 : f32 to vector<16xf32>
      %swap3A_314 = arith.index_cast %scan3A_285 : i32 to index
      %swap3A_315 = arith.constant 64 : index
      %swap3A_316 = tpu.vector_load %arg8[%swap3A_314, %swap3A_315] {strides = array<i32>} : memref<80x128xf32, #tpu.memory_space<vmem>>, vector<1x16xf32>,
      %swap3A_317 = vector.shape_cast %swap3A_316 : vector<1x16xf32> to vector<16xf32>
      %swap3A_318 = vector.shape_cast %broadcast_in_dim3A_313 : vector<16xf32> to vector<1x16xf32>
      tpu.vector_store %arg8[%swap3A_314, %swap3A_315], %swap3A_318 {strides = array<i32>} : memref<80x128xf32, #tpu.memory_space<vmem>>, vector<1x16xf32>,
      %broadcast_in_dim3A_319 = arith.constant 0.000000e+00 : f32
      %broadcast_in_dim3A_320 = vector.broadcast %broadcast_in_dim3A_319 : f32 to vector<16xf32>
      %swap3A_321 = arith.index_cast %scan3A_285 : i32 to index
      %swap3A_322 = arith.constant 80 : index
      %swap3A_323 = tpu.vector_load %arg8[%swap3A_321, %swap3A_322] {strides = array<i32>} : memref<80x128xf32, #tpu.memory_space<vmem>>, vector<1x16xf32>,
      %swap3A_324 = vector.shape_cast %swap3A_323 : vector<1x16xf32> to vector<16xf32>
      %swap3A_325 = vector.shape_cast %broadcast_in_dim3A_320 : vector<16xf32> to vector<1x16xf32>
      tpu.vector_store %arg8[%swap3A_321, %swap3A_322], %swap3A_325 {strides = array<i32>} : memref<80x128xf32, #tpu.memory_space<vmem>>, vector<1x16xf32>,
      %broadcast_in_dim3A_326 = arith.constant 0.000000e+00 : f32
      %broadcast_in_dim3A_327 = vector.broadcast %broadcast_in_dim3A_326 : f32 to vector<16xf32>
      %swap3A_328 = arith.index_cast %scan3A_285 : i32 to index
      %swap3A_329 = arith.constant 96 : index
      %swap3A_330 = tpu.vector_load %arg8[%swap3A_328, %swap3A_329] {strides = array<i32>} : memref<80x128xf32, #tpu.memory_space<vmem>>, vector<1x16xf32>,
      %swap3A_331 = vector.shape_cast %swap3A_330 : vector<1x16xf32> to vector<16xf32>
      %swap3A_332 = vector.shape_cast %broadcast_in_dim3A_327 : vector<16xf32> to vector<1x16xf32>
      tpu.vector_store %arg8[%swap3A_328, %swap3A_329], %swap3A_332 {strides = array<i32>} : memref<80x128xf32, #tpu.memory_space<vmem>>, vector<1x16xf32>,
      %broadcast_in_dim3A_333 = arith.constant 0.000000e+00 : f32
      %broadcast_in_dim3A_334 = vector.broadcast %broadcast_in_dim3A_333 : f32 to vector<16xf32>
      %swap3A_335 = arith.index_cast %scan3A_285 : i32 to index
      %swap3A_336 = arith.constant 112 : index
      %swap3A_337 = tpu.vector_load %arg8[%swap3A_335, %swap3A_336] {strides = array<i32>} : memref<80x128xf32, #tpu.memory_space<vmem>>, vector<1x16xf32>,
      %swap3A_338 = vector.shape_cast %swap3A_337 : vector<1x16xf32> to vector<16xf32>
      %swap3A_339 = vector.shape_cast %broadcast_in_dim3A_334 : vector<16xf32> to vector<1x16xf32>
      tpu.vector_store %arg8[%swap3A_335, %swap3A_336], %swap3A_339 {strides = array<i32>} : memref<80x128xf32, #tpu.memory_space<vmem>>, vector<1x16xf32>,
    }
    %scan3A_38 = arith.constant 80 : i32
    %add3A_39 = arith.constant 0 : i32
    %add3A_40 = arith.addi %add3A_39, %arg1 : i32
    %lt3A = arith.constant 125 : i32
    %lt3A_41 = arith.cmpi slt, %add3A_40, %lt3A : i32
    %convert_element_type3A = arith.extui %lt3A_41 : i1 to i32
    %cond3A = arith.constant 0 : i32
    %cond3A_42 = arith.cmpi ne, %convert_element_type3A, %cond3A : i32
    scf.if %cond3A_42 {
      %mul3A_285 = arith.constant 80 : i32
      %mul3A_286 = arith.muli %add3A_40, %mul3A_285 : i32
      %dma_start3A_287 = arith.constant 0 : i32
      %dma_start3A_288 = tpu.memref_slice %arg10[%mul3A_286, %dma_start3A_287] : memref<10000x128xf32, #tpu.memory_space<vmem_shared>> -> memref<80x128xf32, #tpu.memory_space<vmem_shared>>
      %dma_start3A_289 = arith.constant 0 : i32
      %dma_start3A_290 = tpu.memref_slice %arg10[%mul3A_286, %dma_start3A_289] : memref<10000x128xf32, #tpu.memory_space<vmem_shared>> -> memref<80x128xf32, #tpu.memory_space<vmem_shared>>
      tpu.enqueue_dma source(%arg8 : memref<80x128xf32, #tpu.memory_space<vmem>>) target(%dma_start3A_290 : memref<80x128xf32, #tpu.memory_space<vmem_shared>>) target_semaphore(%arg13 : memref<!tpu.dma_semaphore, #tpu.memory_space<semaphore_mem>>)
    } else {
    }
    %add3A_43 = arith.constant 16 : i32
    %add3A_44 = arith.addi %add3A_43, %arg1 : i32
    %lt3A_45 = arith.constant 125 : i32
    %lt3A_46 = arith.cmpi slt, %add3A_44, %lt3A_45 : i32
    %convert_element_type3A_47 = arith.extui %lt3A_46 : i1 to i32
    %cond3A_48 = arith.constant 0 : i32
    %cond3A_49 = arith.cmpi ne, %convert_element_type3A_47, %cond3A_48 : i32
    scf.if %cond3A_49 {
      %mul3A_285 = arith.constant 80 : i32
      %mul3A_286 = arith.muli %add3A_44, %mul3A_285 : i32
      %dma_start3A_287 = arith.constant 0 : i32
      %dma_start3A_288 = tpu.memref_slice %arg10[%mul3A_286, %dma_start3A_287] : memref<10000x128xf32, #tpu.memory_space<vmem_shared>> -> memref<80x128xf32, #tpu.memory_space<vmem_shared>>
      %dma_start3A_289 = arith.constant 0 : i32
      %dma_start3A_290 = tpu.memref_slice %arg10[%mul3A_286, %dma_start3A_289] : memref<10000x128xf32, #tpu.memory_space<vmem_shared>> -> memref<80x128xf32, #tpu.memory_space<vmem_shared>>
      tpu.enqueue_dma source(%arg8 : memref<80x128xf32, #tpu.memory_space<vmem>>) target(%dma_start3A_290 : memref<80x128xf32, #tpu.memory_space<vmem_shared>>) target_semaphore(%arg13 : memref<!tpu.dma_semaphore, #tpu.memory_space<semaphore_mem>>)
    } else {
    }
    %add3A_50 = arith.constant 32 : i32
    %add3A_51 = arith.addi %add3A_50, %arg1 : i32
    %lt3A_52 = arith.constant 125 : i32
    %lt3A_53 = arith.cmpi slt, %add3A_51, %lt3A_52 : i32
    %convert_element_type3A_54 = arith.extui %lt3A_53 : i1 to i32
    %cond3A_55 = arith.constant 0 : i32
    %cond3A_56 = arith.cmpi ne, %convert_element_type3A_54, %cond3A_55 : i32
    scf.if %cond3A_56 {
      %mul3A_285 = arith.constant 80 : i32
      %mul3A_286 = arith.muli %add3A_51, %mul3A_285 : i32
      %dma_start3A_287 = arith.constant 0 : i32
      %dma_start3A_288 = tpu.memref_slice %arg10[%mul3A_286, %dma_start3A_287] : memref<10000x128xf32, #tpu.memory_space<vmem_shared>> -> memref<80x128xf32, #tpu.memory_space<vmem_shared>>
      %dma_start3A_289 = arith.constant 0 : i32
      %dma_start3A_290 = tpu.memref_slice %arg10[%mul3A_286, %dma_start3A_289] : memref<10000x128xf32, #tpu.memory_space<vmem_shared>> -> memref<80x128xf32, #tpu.memory_space<vmem_shared>>
      tpu.enqueue_dma source(%arg8 : memref<80x128xf32, #tpu.memory_space<vmem>>) target(%dma_start3A_290 : memref<80x128xf32, #tpu.memory_space<vmem_shared>>) target_semaphore(%arg13 : memref<!tpu.dma_semaphore, #tpu.memory_space<semaphore_mem>>)
    } else {
    }
    %add3A_57 = arith.constant 48 : i32
    %add3A_58 = arith.addi %add3A_57, %arg1 : i32
    %lt3A_59 = arith.constant 125 : i32
    %lt3A_60 = arith.cmpi slt, %add3A_58, %lt3A_59 : i32
    %convert_element_type3A_61 = arith.extui %lt3A_60 : i1 to i32
    %cond3A_62 = arith.constant 0 : i32
    %cond3A_63 = arith.cmpi ne, %convert_element_type3A_61, %cond3A_62 : i32
    scf.if %cond3A_63 {
      %mul3A_285 = arith.constant 80 : i32
      %mul3A_286 = arith.muli %add3A_58, %mul3A_285 : i32
      %dma_start3A_287 = arith.constant 0 : i32
      %dma_start3A_288 = tpu.memref_slice %arg10[%mul3A_286, %dma_start3A_287] : memref<10000x128xf32, #tpu.memory_space<vmem_shared>> -> memref<80x128xf32, #tpu.memory_space<vmem_shared>>
      %dma_start3A_289 = arith.constant 0 : i32
      %dma_start3A_290 = tpu.memref_slice %arg10[%mul3A_286, %dma_start3A_289] : memref<10000x128xf32, #tpu.memory_space<vmem_shared>> -> memref<80x128xf32, #tpu.memory_space<vmem_shared>>
      tpu.enqueue_dma source(%arg8 : memref<80x128xf32, #tpu.memory_space<vmem>>) target(%dma_start3A_290 : memref<80x128xf32, #tpu.memory_space<vmem_shared>>) target_semaphore(%arg13 : memref<!tpu.dma_semaphore, #tpu.memory_space<semaphore_mem>>)
    } else {
    }
    %add3A_64 = arith.constant 64 : i32
    %add3A_65 = arith.addi %add3A_64, %arg1 : i32
    %lt3A_66 = arith.constant 125 : i32
    %lt3A_67 = arith.cmpi slt, %add3A_65, %lt3A_66 : i32
    %convert_element_type3A_68 = arith.extui %lt3A_67 : i1 to i32
    %cond3A_69 = arith.constant 0 : i32
    %cond3A_70 = arith.cmpi ne, %convert_element_type3A_68, %cond3A_69 : i32
    scf.if %cond3A_70 {
      %mul3A_285 = arith.constant 80 : i32
      %mul3A_286 = arith.muli %add3A_65, %mul3A_285 : i32
      %dma_start3A_287 = arith.constant 0 : i32
      %dma_start3A_288 = tpu.memref_slice %arg10[%mul3A_286, %dma_start3A_287] : memref<10000x128xf32, #tpu.memory_space<vmem_shared>> -> memref<80x128xf32, #tpu.memory_space<vmem_shared>>
      %dma_start3A_289 = arith.constant 0 : i32
      %dma_start3A_290 = tpu.memref_slice %arg10[%mul3A_286, %dma_start3A_289] : memref<10000x128xf32, #tpu.memory_space<vmem_shared>> -> memref<80x128xf32, #tpu.memory_space<vmem_shared>>
      tpu.enqueue_dma source(%arg8 : memref<80x128xf32, #tpu.memory_space<vmem>>) target(%dma_start3A_290 : memref<80x128xf32, #tpu.memory_space<vmem_shared>>) target_semaphore(%arg13 : memref<!tpu.dma_semaphore, #tpu.memory_space<semaphore_mem>>)
    } else {
    }
    %add3A_71 = arith.constant 80 : i32
    %add3A_72 = arith.addi %add3A_71, %arg1 : i32
    %lt3A_73 = arith.constant 125 : i32
    %lt3A_74 = arith.cmpi slt, %add3A_72, %lt3A_73 : i32
    %convert_element_type3A_75 = arith.extui %lt3A_74 : i1 to i32
    %cond3A_76 = arith.constant 0 : i32
    %cond3A_77 = arith.cmpi ne, %convert_element_type3A_75, %cond3A_76 : i32
    scf.if %cond3A_77 {
      %mul3A_285 = arith.constant 80 : i32
      %mul3A_286 = arith.muli %add3A_72, %mul3A_285 : i32
      %dma_start3A_287 = arith.constant 0 : i32
      %dma_start3A_288 = tpu.memref_slice %arg10[%mul3A_286, %dma_start3A_287] : memref<10000x128xf32, #tpu.memory_space<vmem_shared>> -> memref<80x128xf32, #tpu.memory_space<vmem_shared>>
      %dma_start3A_289 = arith.constant 0 : i32
      %dma_start3A_290 = tpu.memref_slice %arg10[%mul3A_286, %dma_start3A_289] : memref<10000x128xf32, #tpu.memory_space<vmem_shared>> -> memref<80x128xf32, #tpu.memory_space<vmem_shared>>
      tpu.enqueue_dma source(%arg8 : memref<80x128xf32, #tpu.memory_space<vmem>>) target(%dma_start3A_290 : memref<80x128xf32, #tpu.memory_space<vmem_shared>>) target_semaphore(%arg13 : memref<!tpu.dma_semaphore, #tpu.memory_space<semaphore_mem>>)
    } else {
    }
    %add3A_78 = arith.constant 96 : i32
    %add3A_79 = arith.addi %add3A_78, %arg1 : i32
    %lt3A_80 = arith.constant 125 : i32
    %lt3A_81 = arith.cmpi slt, %add3A_79, %lt3A_80 : i32
    %convert_element_type3A_82 = arith.extui %lt3A_81 : i1 to i32
    %cond3A_83 = arith.constant 0 : i32
    %cond3A_84 = arith.cmpi ne, %convert_element_type3A_82, %cond3A_83 : i32
    scf.if %cond3A_84 {
      %mul3A_285 = arith.constant 80 : i32
      %mul3A_286 = arith.muli %add3A_79, %mul3A_285 : i32
      %dma_start3A_287 = arith.constant 0 : i32
      %dma_start3A_288 = tpu.memref_slice %arg10[%mul3A_286, %dma_start3A_287] : memref<10000x128xf32, #tpu.memory_space<vmem_shared>> -> memref<80x128xf32, #tpu.memory_space<vmem_shared>>
      %dma_start3A_289 = arith.constant 0 : i32
      %dma_start3A_290 = tpu.memref_slice %arg10[%mul3A_286, %dma_start3A_289] : memref<10000x128xf32, #tpu.memory_space<vmem_shared>> -> memref<80x128xf32, #tpu.memory_space<vmem_shared>>
      tpu.enqueue_dma source(%arg8 : memref<80x128xf32, #tpu.memory_space<vmem>>) target(%dma_start3A_290 : memref<80x128xf32, #tpu.memory_space<vmem_shared>>) target_semaphore(%arg13 : memref<!tpu.dma_semaphore, #tpu.memory_space<semaphore_mem>>)
    } else {
    }
    %add3A_85 = arith.constant 112 : i32
    %add3A_86 = arith.addi %add3A_85, %arg1 : i32
    %lt3A_87 = arith.constant 125 : i32
    %lt3A_88 = arith.cmpi slt, %add3A_86, %lt3A_87 : i32
    %convert_element_type3A_89 = arith.extui %lt3A_88 : i1 to i32
    %cond3A_90 = arith.constant 0 : i32
    %cond3A_91 = arith.cmpi ne, %convert_element_type3A_89, %cond3A_90 : i32
    scf.if %cond3A_91 {
      %mul3A_285 = arith.constant 80 : i32
      %mul3A_286 = arith.muli %add3A_86, %mul3A_285 : i32
      %dma_start3A_287 = arith.constant 0 : i32
      %dma_start3A_288 = tpu.memref_slice %arg10[%mul3A_286, %dma_start3A_287] : memref<10000x128xf32, #tpu.memory_space<vmem_shared>> -> memref<80x128xf32, #tpu.memory_space<vmem_shared>>
      %dma_start3A_289 = arith.constant 0 : i32
      %dma_start3A_290 = tpu.memref_slice %arg10[%mul3A_286, %dma_start3A_289] : memref<10000x128xf32, #tpu.memory_space<vmem_shared>> -> memref<80x128xf32, #tpu.memory_space<vmem_shared>>
      tpu.enqueue_dma source(%arg8 : memref<80x128xf32, #tpu.memory_space<vmem>>) target(%dma_start3A_290 : memref<80x128xf32, #tpu.memory_space<vmem_shared>>) target_semaphore(%arg13 : memref<!tpu.dma_semaphore, #tpu.memory_space<semaphore_mem>>)
    } else {
    }
    %add3A_92 = arith.constant 0 : i32
    %add3A_93 = arith.addi %add3A_92, %arg1 : i32
    %lt3A_94 = arith.constant 125 : i32
    %lt3A_95 = arith.cmpi slt, %add3A_93, %lt3A_94 : i32
    %convert_element_type3A_96 = arith.extui %lt3A_95 : i1 to i32
    %cond3A_97 = arith.constant 0 : i32
    %cond3A_98 = arith.cmpi ne, %convert_element_type3A_96, %cond3A_97 : i32
    scf.if %cond3A_98 {
      %mul3A_285 = arith.constant 80 : i32
      %mul3A_286 = arith.muli %add3A_93, %mul3A_285 : i32
      %dma_wait3A_287 = arith.constant 0 : i32
      %dma_wait3A_288 = tpu.memref_slice %arg10[%mul3A_286, %dma_wait3A_287] : memref<10000x128xf32, #tpu.memory_space<vmem_shared>> -> memref<80x128xf32, #tpu.memory_space<vmem_shared>>
      %dma_wait3A_289 = arith.constant 0 : i32
      %dma_wait3A_290 = tpu.memref_slice %arg10[%mul3A_286, %dma_wait3A_289] : memref<10000x128xf32, #tpu.memory_space<vmem_shared>> -> memref<80x128xf32, #tpu.memory_space<vmem_shared>>
      tpu.wait_dma2 semaphore(%arg13 : memref<!tpu.dma_semaphore, #tpu.memory_space<semaphore_mem>>) src(%arg8 : memref<80x128xf32, #tpu.memory_space<vmem>>) dst(%dma_wait3A_290 : memref<80x128xf32, #tpu.memory_space<vmem_shared>>)
    } else {
    }
    %add3A_99 = arith.constant 16 : i32
    %add3A_100 = arith.addi %add3A_99, %arg1 : i32
    %lt3A_101 = arith.constant 125 : i32
    %lt3A_102 = arith.cmpi slt, %add3A_100, %lt3A_101 : i32
    %convert_element_type3A_103 = arith.extui %lt3A_102 : i1 to i32
    %cond3A_104 = arith.constant 0 : i32
    %cond3A_105 = arith.cmpi ne, %convert_element_type3A_103, %cond3A_104 : i32
    scf.if %cond3A_105 {
      %mul3A_285 = arith.constant 80 : i32
      %mul3A_286 = arith.muli %add3A_100, %mul3A_285 : i32
      %dma_wait3A_287 = arith.constant 0 : i32
      %dma_wait3A_288 = tpu.memref_slice %arg10[%mul3A_286, %dma_wait3A_287] : memref<10000x128xf32, #tpu.memory_space<vmem_shared>> -> memref<80x128xf32, #tpu.memory_space<vmem_shared>>
      %dma_wait3A_289 = arith.constant 0 : i32
      %dma_wait3A_290 = tpu.memref_slice %arg10[%mul3A_286, %dma_wait3A_289] : memref<10000x128xf32, #tpu.memory_space<vmem_shared>> -> memref<80x128xf32, #tpu.memory_space<vmem_shared>>
      tpu.wait_dma2 semaphore(%arg13 : memref<!tpu.dma_semaphore, #tpu.memory_space<semaphore_mem>>) src(%arg8 : memref<80x128xf32, #tpu.memory_space<vmem>>) dst(%dma_wait3A_290 : memref<80x128xf32, #tpu.memory_space<vmem_shared>>)
    } else {
    }
    %add3A_106 = arith.constant 32 : i32
    %add3A_107 = arith.addi %add3A_106, %arg1 : i32
    %lt3A_108 = arith.constant 125 : i32
    %lt3A_109 = arith.cmpi slt, %add3A_107, %lt3A_108 : i32
    %convert_element_type3A_110 = arith.extui %lt3A_109 : i1 to i32
    %cond3A_111 = arith.constant 0 : i32
    %cond3A_112 = arith.cmpi ne, %convert_element_type3A_110, %cond3A_111 : i32
    scf.if %cond3A_112 {
      %mul3A_285 = arith.constant 80 : i32
      %mul3A_286 = arith.muli %add3A_107, %mul3A_285 : i32
      %dma_wait3A_287 = arith.constant 0 : i32
      %dma_wait3A_288 = tpu.memref_slice %arg10[%mul3A_286, %dma_wait3A_287] : memref<10000x128xf32, #tpu.memory_space<vmem_shared>> -> memref<80x128xf32, #tpu.memory_space<vmem_shared>>
      %dma_wait3A_289 = arith.constant 0 : i32
      %dma_wait3A_290 = tpu.memref_slice %arg10[%mul3A_286, %dma_wait3A_289] : memref<10000x128xf32, #tpu.memory_space<vmem_shared>> -> memref<80x128xf32, #tpu.memory_space<vmem_shared>>
      tpu.wait_dma2 semaphore(%arg13 : memref<!tpu.dma_semaphore, #tpu.memory_space<semaphore_mem>>) src(%arg8 : memref<80x128xf32, #tpu.memory_space<vmem>>) dst(%dma_wait3A_290 : memref<80x128xf32, #tpu.memory_space<vmem_shared>>)
    } else {
    }
    %add3A_113 = arith.constant 48 : i32
    %add3A_114 = arith.addi %add3A_113, %arg1 : i32
    %lt3A_115 = arith.constant 125 : i32
    %lt3A_116 = arith.cmpi slt, %add3A_114, %lt3A_115 : i32
    %convert_element_type3A_117 = arith.extui %lt3A_116 : i1 to i32
    %cond3A_118 = arith.constant 0 : i32
    %cond3A_119 = arith.cmpi ne, %convert_element_type3A_117, %cond3A_118 : i32
    scf.if %cond3A_119 {
      %mul3A_285 = arith.constant 80 : i32
      %mul3A_286 = arith.muli %add3A_114, %mul3A_285 : i32
      %dma_wait3A_287 = arith.constant 0 : i32
      %dma_wait3A_288 = tpu.memref_slice %arg10[%mul3A_286, %dma_wait3A_287] : memref<10000x128xf32, #tpu.memory_space<vmem_shared>> -> memref<80x128xf32, #tpu.memory_space<vmem_shared>>
      %dma_wait3A_289 = arith.constant 0 : i32
      %dma_wait3A_290 = tpu.memref_slice %arg10[%mul3A_286, %dma_wait3A_289] : memref<10000x128xf32, #tpu.memory_space<vmem_shared>> -> memref<80x128xf32, #tpu.memory_space<vmem_shared>>
      tpu.wait_dma2 semaphore(%arg13 : memref<!tpu.dma_semaphore, #tpu.memory_space<semaphore_mem>>) src(%arg8 : memref<80x128xf32, #tpu.memory_space<vmem>>) dst(%dma_wait3A_290 : memref<80x128xf32, #tpu.memory_space<vmem_shared>>)
    } else {
    }
    %add3A_120 = arith.constant 64 : i32
    %add3A_121 = arith.addi %add3A_120, %arg1 : i32
    %lt3A_122 = arith.constant 125 : i32
    %lt3A_123 = arith.cmpi slt, %add3A_121, %lt3A_122 : i32
    %convert_element_type3A_124 = arith.extui %lt3A_123 : i1 to i32
    %cond3A_125 = arith.constant 0 : i32
    %cond3A_126 = arith.cmpi ne, %convert_element_type3A_124, %cond3A_125 : i32
    scf.if %cond3A_126 {
      %mul3A_285 = arith.constant 80 : i32
      %mul3A_286 = arith.muli %add3A_121, %mul3A_285 : i32
      %dma_wait3A_287 = arith.constant 0 : i32
      %dma_wait3A_288 = tpu.memref_slice %arg10[%mul3A_286, %dma_wait3A_287] : memref<10000x128xf32, #tpu.memory_space<vmem_shared>> -> memref<80x128xf32, #tpu.memory_space<vmem_shared>>
      %dma_wait3A_289 = arith.constant 0 : i32
      %dma_wait3A_290 = tpu.memref_slice %arg10[%mul3A_286, %dma_wait3A_289] : memref<10000x128xf32, #tpu.memory_space<vmem_shared>> -> memref<80x128xf32, #tpu.memory_space<vmem_shared>>
      tpu.wait_dma2 semaphore(%arg13 : memref<!tpu.dma_semaphore, #tpu.memory_space<semaphore_mem>>) src(%arg8 : memref<80x128xf32, #tpu.memory_space<vmem>>) dst(%dma_wait3A_290 : memref<80x128xf32, #tpu.memory_space<vmem_shared>>)
    } else {
    }
    %add3A_127 = arith.constant 80 : i32
    %add3A_128 = arith.addi %add3A_127, %arg1 : i32
    %lt3A_129 = arith.constant 125 : i32
    %lt3A_130 = arith.cmpi slt, %add3A_128, %lt3A_129 : i32
    %convert_element_type3A_131 = arith.extui %lt3A_130 : i1 to i32
    %cond3A_132 = arith.constant 0 : i32
    %cond3A_133 = arith.cmpi ne, %convert_element_type3A_131, %cond3A_132 : i32
    scf.if %cond3A_133 {
      %mul3A_285 = arith.constant 80 : i32
      %mul3A_286 = arith.muli %add3A_128, %mul3A_285 : i32
      %dma_wait3A_287 = arith.constant 0 : i32
      %dma_wait3A_288 = tpu.memref_slice %arg10[%mul3A_286, %dma_wait3A_287] : memref<10000x128xf32, #tpu.memory_space<vmem_shared>> -> memref<80x128xf32, #tpu.memory_space<vmem_shared>>
      %dma_wait3A_289 = arith.constant 0 : i32
      %dma_wait3A_290 = tpu.memref_slice %arg10[%mul3A_286, %dma_wait3A_289] : memref<10000x128xf32, #tpu.memory_space<vmem_shared>> -> memref<80x128xf32, #tpu.memory_space<vmem_shared>>
      tpu.wait_dma2 semaphore(%arg13 : memref<!tpu.dma_semaphore, #tpu.memory_space<semaphore_mem>>) src(%arg8 : memref<80x128xf32, #tpu.memory_space<vmem>>) dst(%dma_wait3A_290 : memref<80x128xf32, #tpu.memory_space<vmem_shared>>)
    } else {
    }
    %add3A_134 = arith.constant 96 : i32
    %add3A_135 = arith.addi %add3A_134, %arg1 : i32
    %lt3A_136 = arith.constant 125 : i32
    %lt3A_137 = arith.cmpi slt, %add3A_135, %lt3A_136 : i32
    %convert_element_type3A_138 = arith.extui %lt3A_137 : i1 to i32
    %cond3A_139 = arith.constant 0 : i32
    %cond3A_140 = arith.cmpi ne, %convert_element_type3A_138, %cond3A_139 : i32
    scf.if %cond3A_140 {
      %mul3A_285 = arith.constant 80 : i32
      %mul3A_286 = arith.muli %add3A_135, %mul3A_285 : i32
      %dma_wait3A_287 = arith.constant 0 : i32
      %dma_wait3A_288 = tpu.memref_slice %arg10[%mul3A_286, %dma_wait3A_287] : memref<10000x128xf32, #tpu.memory_space<vmem_shared>> -> memref<80x128xf32, #tpu.memory_space<vmem_shared>>
      %dma_wait3A_289 = arith.constant 0 : i32
      %dma_wait3A_290 = tpu.memref_slice %arg10[%mul3A_286, %dma_wait3A_289] : memref<10000x128xf32, #tpu.memory_space<vmem_shared>> -> memref<80x128xf32, #tpu.memory_space<vmem_shared>>
      tpu.wait_dma2 semaphore(%arg13 : memref<!tpu.dma_semaphore, #tpu.memory_space<semaphore_mem>>) src(%arg8 : memref<80x128xf32, #tpu.memory_space<vmem>>) dst(%dma_wait3A_290 : memref<80x128xf32, #tpu.memory_space<vmem_shared>>)
    } else {
    }
    %add3A_141 = arith.constant 112 : i32
    %add3A_142 = arith.addi %add3A_141, %arg1 : i32
    %lt3A_143 = arith.constant 125 : i32
    %lt3A_144 = arith.cmpi slt, %add3A_142, %lt3A_143 : i32
    %convert_element_type3A_145 = arith.extui %lt3A_144 : i1 to i32
    %cond3A_146 = arith.constant 0 : i32
    %cond3A_147 = arith.cmpi ne, %convert_element_type3A_145, %cond3A_146 : i32
    scf.if %cond3A_147 {
      %mul3A_285 = arith.constant 80 : i32
      %mul3A_286 = arith.muli %add3A_142, %mul3A_285 : i32
      %dma_wait3A_287 = arith.constant 0 : i32
      %dma_wait3A_288 = tpu.memref_slice %arg10[%mul3A_286, %dma_wait3A_287] : memref<10000x128xf32, #tpu.memory_space<vmem_shared>> -> memref<80x128xf32, #tpu.memory_space<vmem_shared>>
      %dma_wait3A_289 = arith.constant 0 : i32
      %dma_wait3A_290 = tpu.memref_slice %arg10[%mul3A_286, %dma_wait3A_289] : memref<10000x128xf32, #tpu.memory_space<vmem_shared>> -> memref<80x128xf32, #tpu.memory_space<vmem_shared>>
      tpu.wait_dma2 semaphore(%arg13 : memref<!tpu.dma_semaphore, #tpu.memory_space<semaphore_mem>>) src(%arg8 : memref<80x128xf32, #tpu.memory_space<vmem>>) dst(%dma_wait3A_290 : memref<80x128xf32, #tpu.memory_space<vmem_shared>>)
    } else {
    }
    %barrier3A = arith.constant 0 : index
    tpu.barrier barrier_id(%barrier3A)
    %scan3A_148 = arith.constant 0 : i32
    %scan3A_149 = arith.constant 0 : i32
    %scan3A_150 = arith.constant 125 : i32
    %scan3A_151 = arith.addi %scan3A_149, %scan3A_150 : i32
    %scan3A_152 = arith.constant 1 : i32
    scf.for %scan3A_285 = %scan3A_149 to %scan3A_151 step %scan3A_152  : i32 {
      %mul3A_286 = arith.constant 2 : i32
      %mul3A_287 = arith.muli %scan3A_285, %mul3A_286 : i32
      %sub3A = arith.constant 2 : i32
      %sub3A_288 = arith.subi %mul3A_287, %sub3A : i32
      %add3A_289 = arith.constant 0 : i32
      %add3A_290 = arith.addi %sub3A_288, %add3A_289 : i32
      %add3A_291 = arith.constant 250 : i32
      %add3A_292 = arith.addi %add3A_290, %add3A_291 : i32
      %rem3A_293 = arith.constant 20 : i32
      %rem3A_294 = arith.remsi %add3A_292, %rem3A_293 : i32
      %gt3A = arith.constant 0 : i32
      %gt3A_295 = arith.cmpi sgt, %scan3A_285, %gt3A : i32
      %convert_element_type3A_296 = arith.extui %gt3A_295 : i1 to i32
      %cond3A_297 = arith.constant 0 : i32
      %cond3A_298 = arith.cmpi ne, %convert_element_type3A_296, %cond3A_297 : i32
      scf.if %cond3A_298 {
        %dma_wait3A_388 = arith.constant 0 : i32
        %dma_wait3A_389 = arith.constant 0 : i32
        %dma_wait3A_390 = tpu.memref_slice %arg7[%rem3A_294, %dma_wait3A_388, %dma_wait3A_389] : memref<20x1x80xi32, #tpu.memory_space<vmem>> -> memref<1x1x80xi32, #tpu.memory_space<vmem>>
        %dma_wait3A_391 = tpu.memref_squeeze %dma_wait3A_390 : memref<1x1x80xi32, #tpu.memory_space<vmem>> -> memref<80xi32, #tpu.memory_space<vmem>>
        %dma_wait3A_392 = arith.constant 0 : i32
        %dma_wait3A_393 = arith.constant 0 : i32
        %dma_wait3A_394 = tpu.memref_slice %arg10[%dma_wait3A_392, %dma_wait3A_393] : memref<10000x128xf32, #tpu.memory_space<vmem_shared>> -> memref<10000x128xf32, #tpu.memory_space<vmem_shared>>
        tpu.wait_indirect_dma semaphore(%arg16 : memref<!tpu.dma_semaphore, #tpu.memory_space<semaphore_mem>>) src(%arg8 : memref<80x128xf32, #tpu.memory_space<vmem>>) dst(%dma_wait3A_394 : memref<10000x128xf32, #tpu.memory_space<vmem_shared>>)
      } else {
      }
      %sub3A_299 = arith.constant 2 : i32
      %sub3A_300 = arith.subi %mul3A_287, %sub3A_299 : i32
      %add3A_301 = arith.constant 1 : i32
      %add3A_302 = arith.addi %sub3A_300, %add3A_301 : i32
      %add3A_303 = arith.constant 250 : i32
      %add3A_304 = arith.addi %add3A_302, %add3A_303 : i32
      %rem3A_305 = arith.constant 20 : i32
      %rem3A_306 = arith.remsi %add3A_304, %rem3A_305 : i32
      %gt3A_307 = arith.constant 0 : i32
      %gt3A_308 = arith.cmpi sgt, %scan3A_285, %gt3A_307 : i32
      %convert_element_type3A_309 = arith.extui %gt3A_308 : i1 to i32
      %cond3A_310 = arith.constant 0 : i32
      %cond3A_311 = arith.cmpi ne, %convert_element_type3A_309, %cond3A_310 : i32
      scf.if %cond3A_311 {
        %dma_wait3A_388 = arith.constant 0 : i32
        %dma_wait3A_389 = arith.constant 0 : i32
        %dma_wait3A_390 = tpu.memref_slice %arg7[%rem3A_306, %dma_wait3A_388, %dma_wait3A_389] : memref<20x1x80xi32, #tpu.memory_space<vmem>> -> memref<1x1x80xi32, #tpu.memory_space<vmem>>
        %dma_wait3A_391 = tpu.memref_squeeze %dma_wait3A_390 : memref<1x1x80xi32, #tpu.memory_space<vmem>> -> memref<80xi32, #tpu.memory_space<vmem>>
        %dma_wait3A_392 = arith.constant 0 : i32
        %dma_wait3A_393 = arith.constant 0 : i32
        %dma_wait3A_394 = tpu.memref_slice %arg10[%dma_wait3A_392, %dma_wait3A_393] : memref<10000x128xf32, #tpu.memory_space<vmem_shared>> -> memref<10000x128xf32, #tpu.memory_space<vmem_shared>>
        tpu.wait_indirect_dma semaphore(%arg17 : memref<!tpu.dma_semaphore, #tpu.memory_space<semaphore_mem>>) src(%arg9 : memref<80x128xf32, #tpu.memory_space<vmem>>) dst(%dma_wait3A_394 : memref<10000x128xf32, #tpu.memory_space<vmem_shared>>)
      } else {
      }
      %rem3A_312 = arith.constant 5 : i32
      %rem3A_313 = arith.remsi %scan3A_285, %rem3A_312 : i32
      %eq3A = arith.constant 0 : i32
      %eq3A_314 = arith.cmpi eq, %rem3A_313, %eq3A : i32
      %gt3A_315 = arith.constant 0 : i32
      %gt3A_316 = arith.cmpi sgt, %scan3A_285, %gt3A_315 : i32
      %and3A = arith.andi %eq3A_314, %gt3A_316 : i1
      %convert_element_type3A_317 = arith.extui %and3A : i1 to i32
      %cond3A_318 = arith.constant 0 : i32
      %cond3A_319 = arith.cmpi ne, %convert_element_type3A_317, %cond3A_318 : i32
      scf.if %cond3A_319 {
        %add3A_388 = arith.addi %mul3A_2, %mul3A_287 : i32
        %rem3A_389 = arith.constant 20 : i32
        %rem3A_390 = arith.remsi %mul3A_287, %rem3A_389 : i32
        %dma_wait3A_391 = arith.constant 0 : i32
        %dma_wait3A_392 = arith.constant 0 : i32
        %dma_wait3A_393 = tpu.memref_slice %arg6[%rem3A_390, %dma_wait3A_391, %dma_wait3A_392] : memref<20x1x80xi32, #tpu.memory_space<vmem>> -> memref<10x1x80xi32, #tpu.memory_space<vmem>>
        %dma_wait3A_394 = arith.constant 0 : i32
        %dma_wait3A_395 = arith.constant 0 : i32
        %dma_wait3A_396 = tpu.memref_slice %arg3[%add3A_388, %dma_wait3A_394, %dma_wait3A_395] : memref<8000x1x80xi32, #tpu.memory_space<hbm>> -> memref<10x1x80xi32, #tpu.memory_space<hbm>>
        %dma_wait3A_397 = arith.constant 0 : i32
        %dma_wait3A_398 = arith.constant 0 : i32
        %dma_wait3A_399 = tpu.memref_slice %arg6[%rem3A_390, %dma_wait3A_397, %dma_wait3A_398] : memref<20x1x80xi32, #tpu.memory_space<vmem>> -> memref<10x1x80xi32, #tpu.memory_space<vmem>>
        %dma_wait3A_400 = arith.constant 0 : i32
        %dma_wait3A_401 = arith.constant 0 : i32
        %dma_wait3A_402 = tpu.memref_slice %arg3[%add3A_388, %dma_wait3A_400, %dma_wait3A_401] : memref<8000x1x80xi32, #tpu.memory_space<hbm>> -> memref<10x1x80xi32, #tpu.memory_space<hbm>>
        tpu.wait_dma2 semaphore(%arg11 : memref<!tpu.dma_semaphore, #tpu.memory_space<semaphore_mem>>) src(%dma_wait3A_402 : memref<10x1x80xi32, #tpu.memory_space<hbm>>) dst(%dma_wait3A_399 : memref<10x1x80xi32, #tpu.memory_space<vmem>>)
        %add3A_403 = arith.addi %mul3A_2, %mul3A_287 : i32
        %rem3A_404 = arith.constant 20 : i32
        %rem3A_405 = arith.remsi %mul3A_287, %rem3A_404 : i32
        %dma_wait3A_406 = arith.constant 0 : i32
        %dma_wait3A_407 = arith.constant 0 : i32
        %dma_wait3A_408 = tpu.memref_slice %arg7[%rem3A_405, %dma_wait3A_406, %dma_wait3A_407] : memref<20x1x80xi32, #tpu.memory_space<vmem>> -> memref<10x1x80xi32, #tpu.memory_space<vmem>>
        %dma_wait3A_409 = arith.constant 0 : i32
        %dma_wait3A_410 = arith.constant 0 : i32
        %dma_wait3A_411 = tpu.memref_slice %arg4[%add3A_403, %dma_wait3A_409, %dma_wait3A_410] : memref<8000x1x80xi32, #tpu.memory_space<hbm>> -> memref<10x1x80xi32, #tpu.memory_space<hbm>>
        %dma_wait3A_412 = arith.constant 0 : i32
        %dma_wait3A_413 = arith.constant 0 : i32
        %dma_wait3A_414 = tpu.memref_slice %arg7[%rem3A_405, %dma_wait3A_412, %dma_wait3A_413] : memref<20x1x80xi32, #tpu.memory_space<vmem>> -> memref<10x1x80xi32, #tpu.memory_space<vmem>>
        %dma_wait3A_415 = arith.constant 0 : i32
        %dma_wait3A_416 = arith.constant 0 : i32
        %dma_wait3A_417 = tpu.memref_slice %arg4[%add3A_403, %dma_wait3A_415, %dma_wait3A_416] : memref<8000x1x80xi32, #tpu.memory_space<hbm>> -> memref<10x1x80xi32, #tpu.memory_space<hbm>>
        tpu.wait_dma2 semaphore(%arg12 : memref<!tpu.dma_semaphore, #tpu.memory_space<semaphore_mem>>) src(%dma_wait3A_417 : memref<10x1x80xi32, #tpu.memory_space<hbm>>) dst(%dma_wait3A_414 : memref<10x1x80xi32, #tpu.memory_space<vmem>>)
      } else {
      }
      %lt3A_320 = arith.constant 120 : i32
      %lt3A_321 = arith.cmpi slt, %scan3A_285, %lt3A_320 : i32
      %and3A_322 = arith.andi %and3A, %lt3A_321 : i1
      %convert_element_type3A_323 = arith.extui %and3A_322 : i1 to i32
      %cond3A_324 = arith.constant 0 : i32
      %cond3A_325 = arith.cmpi ne, %convert_element_type3A_323, %cond3A_324 : i32
      scf.if %cond3A_325 {
        %add3A_388 = arith.constant 10 : i32
        %add3A_389 = arith.addi %mul3A_287, %add3A_388 : i32
        %add3A_390 = arith.addi %mul3A_2, %add3A_389 : i32
        %rem3A_391 = arith.constant 20 : i32
        %rem3A_392 = arith.remsi %add3A_389, %rem3A_391 : i32
        %dma_start3A_393 = arith.constant 0 : i32
        %dma_start3A_394 = arith.constant 0 : i32
        %dma_start3A_395 = tpu.memref_slice %arg6[%rem3A_392, %dma_start3A_393, %dma_start3A_394] : memref<20x1x80xi32, #tpu.memory_space<vmem>> -> memref<10x1x80xi32, #tpu.memory_space<vmem>>
        %dma_start3A_396 = arith.constant 0 : i32
        %dma_start3A_397 = arith.constant 0 : i32
        %dma_start3A_398 = tpu.memref_slice %arg3[%add3A_390, %dma_start3A_396, %dma_start3A_397] : memref<8000x1x80xi32, #tpu.memory_space<hbm>> -> memref<10x1x80xi32, #tpu.memory_space<hbm>>
        %dma_start3A_399 = arith.constant 0 : i32
        %dma_start3A_400 = arith.constant 0 : i32
        %dma_start3A_401 = tpu.memref_slice %arg6[%rem3A_392, %dma_start3A_399, %dma_start3A_400] : memref<20x1x80xi32, #tpu.memory_space<vmem>> -> memref<10x1x80xi32, #tpu.memory_space<vmem>>
        %dma_start3A_402 = arith.constant 0 : i32
        %dma_start3A_403 = arith.constant 0 : i32
        %dma_start3A_404 = tpu.memref_slice %arg3[%add3A_390, %dma_start3A_402, %dma_start3A_403] : memref<8000x1x80xi32, #tpu.memory_space<hbm>> -> memref<10x1x80xi32, #tpu.memory_space<hbm>>
        tpu.enqueue_dma source(%dma_start3A_404 : memref<10x1x80xi32, #tpu.memory_space<hbm>>) target(%dma_start3A_401 : memref<10x1x80xi32, #tpu.memory_space<vmem>>) target_semaphore(%arg11 : memref<!tpu.dma_semaphore, #tpu.memory_space<semaphore_mem>>)
        %add3A_405 = arith.addi %mul3A_2, %add3A_389 : i32
        %rem3A_406 = arith.constant 20 : i32
        %rem3A_407 = arith.remsi %add3A_389, %rem3A_406 : i32
        %dma_start3A_408 = arith.constant 0 : i32
        %dma_start3A_409 = arith.constant 0 : i32
        %dma_start3A_410 = tpu.memref_slice %arg7[%rem3A_407, %dma_start3A_408, %dma_start3A_409] : memref<20x1x80xi32, #tpu.memory_space<vmem>> -> memref<10x1x80xi32, #tpu.memory_space<vmem>>
        %dma_start3A_411 = arith.constant 0 : i32
        %dma_start3A_412 = arith.constant 0 : i32
        %dma_start3A_413 = tpu.memref_slice %arg4[%add3A_405, %dma_start3A_411, %dma_start3A_412] : memref<8000x1x80xi32, #tpu.memory_space<hbm>> -> memref<10x1x80xi32, #tpu.memory_space<hbm>>
        %dma_start3A_414 = arith.constant 0 : i32
        %dma_start3A_415 = arith.constant 0 : i32
        %dma_start3A_416 = tpu.memref_slice %arg7[%rem3A_407, %dma_start3A_414, %dma_start3A_415] : memref<20x1x80xi32, #tpu.memory_space<vmem>> -> memref<10x1x80xi32, #tpu.memory_space<vmem>>
        %dma_start3A_417 = arith.constant 0 : i32
        %dma_start3A_418 = arith.constant 0 : i32
        %dma_start3A_419 = tpu.memref_slice %arg4[%add3A_405, %dma_start3A_417, %dma_start3A_418] : memref<8000x1x80xi32, #tpu.memory_space<hbm>> -> memref<10x1x80xi32, #tpu.memory_space<hbm>>
        tpu.enqueue_dma source(%dma_start3A_419 : memref<10x1x80xi32, #tpu.memory_space<hbm>>) target(%dma_start3A_416 : memref<10x1x80xi32, #tpu.memory_space<vmem>>) target_semaphore(%arg12 : memref<!tpu.dma_semaphore, #tpu.memory_space<semaphore_mem>>)
      } else {
      }
      %add3A_326 = arith.constant 0 : i32
      %add3A_327 = arith.addi %mul3A_287, %add3A_326 : i32
      %rem3A_328 = arith.constant 20 : i32
      %rem3A_329 = arith.remsi %add3A_327, %rem3A_328 : i32
      %dma_start3A_330 = arith.constant 0 : i32
      %dma_start3A_331 = arith.constant 0 : i32
      %dma_start3A_332 = tpu.memref_slice %arg6[%rem3A_329, %dma_start3A_330, %dma_start3A_331] : memref<20x1x80xi32, #tpu.memory_space<vmem>> -> memref<1x1x80xi32, #tpu.memory_space<vmem>>
      %dma_start3A_333 = tpu.memref_squeeze %dma_start3A_332 : memref<1x1x80xi32, #tpu.memory_space<vmem>> -> memref<80xi32, #tpu.memory_space<vmem>>
      %dma_start3A_334 = arith.constant 0 : i32
      %dma_start3A_335 = arith.constant 0 : i32
      %dma_start3A_336 = tpu.memref_slice %arg2[%dma_start3A_334, %dma_start3A_335] : memref<10000x128xf32, #tpu.memory_space<hbm>> -> memref<10000x128xf32, #tpu.memory_space<hbm>>
      tpu.enqueue_indirect_dma source(%dma_start3A_336 : memref<10000x128xf32, #tpu.memory_space<hbm>>) target(%arg8 : memref<80x128xf32, #tpu.memory_space<vmem>>) offsets(%dma_start3A_333 : memref<80xi32, #tpu.memory_space<vmem>>) semaphore(%arg14 : memref<!tpu.dma_semaphore, #tpu.memory_space<semaphore_mem>>)
      %add3A_337 = arith.constant 1 : i32
      %add3A_338 = arith.addi %mul3A_287, %add3A_337 : i32
      %rem3A_339 = arith.constant 20 : i32
      %rem3A_340 = arith.remsi %add3A_338, %rem3A_339 : i32
      %dma_start3A_341 = arith.constant 0 : i32
      %dma_start3A_342 = arith.constant 0 : i32
      %dma_start3A_343 = tpu.memref_slice %arg6[%rem3A_340, %dma_start3A_341, %dma_start3A_342] : memref<20x1x80xi32, #tpu.memory_space<vmem>> -> memref<1x1x80xi32, #tpu.memory_space<vmem>>
      %dma_start3A_344 = tpu.memref_squeeze %dma_start3A_343 : memref<1x1x80xi32, #tpu.memory_space<vmem>> -> memref<80xi32, #tpu.memory_space<vmem>>
      %dma_start3A_345 = arith.constant 0 : i32
      %dma_start3A_346 = arith.constant 0 : i32
      %dma_start3A_347 = tpu.memref_slice %arg2[%dma_start3A_345, %dma_start3A_346] : memref<10000x128xf32, #tpu.memory_space<hbm>> -> memref<10000x128xf32, #tpu.memory_space<hbm>>
      tpu.enqueue_indirect_dma source(%dma_start3A_347 : memref<10000x128xf32, #tpu.memory_space<hbm>>) target(%arg9 : memref<80x128xf32, #tpu.memory_space<vmem>>) offsets(%dma_start3A_344 : memref<80xi32, #tpu.memory_space<vmem>>) semaphore(%arg15 : memref<!tpu.dma_semaphore, #tpu.memory_space<semaphore_mem>>)
      %add3A_348 = arith.constant 0 : i32
      %add3A_349 = arith.addi %mul3A_287, %add3A_348 : i32
      %rem3A_350 = arith.constant 20 : i32
      %rem3A_351 = arith.remsi %add3A_349, %rem3A_350 : i32
      %dma_wait3A_352 = arith.constant 0 : i32
      %dma_wait3A_353 = arith.constant 0 : i32
      %dma_wait3A_354 = tpu.memref_slice %arg6[%rem3A_351, %dma_wait3A_352, %dma_wait3A_353] : memref<20x1x80xi32, #tpu.memory_space<vmem>> -> memref<1x1x80xi32, #tpu.memory_space<vmem>>
      %dma_wait3A_355 = tpu.memref_squeeze %dma_wait3A_354 : memref<1x1x80xi32, #tpu.memory_space<vmem>> -> memref<80xi32, #tpu.memory_space<vmem>>
      %dma_wait3A_356 = arith.constant 0 : i32
      %dma_wait3A_357 = arith.constant 0 : i32
      %dma_wait3A_358 = tpu.memref_slice %arg2[%dma_wait3A_356, %dma_wait3A_357] : memref<10000x128xf32, #tpu.memory_space<hbm>> -> memref<10000x128xf32, #tpu.memory_space<hbm>>
      tpu.wait_indirect_dma semaphore(%arg14 : memref<!tpu.dma_semaphore, #tpu.memory_space<semaphore_mem>>) src(%dma_wait3A_358 : memref<10000x128xf32, #tpu.memory_space<hbm>>) dst(%arg8 : memref<80x128xf32, #tpu.memory_space<vmem>>)
      %rem3A_359 = arith.constant 20 : i32
      %rem3A_360 = arith.remsi %add3A_349, %rem3A_359 : i32
      %dma_start3A_361 = arith.constant 0 : i32
      %dma_start3A_362 = arith.constant 0 : i32
      %dma_start3A_363 = tpu.memref_slice %arg7[%rem3A_360, %dma_start3A_361, %dma_start3A_362] : memref<20x1x80xi32, #tpu.memory_space<vmem>> -> memref<1x1x80xi32, #tpu.memory_space<vmem>>
      %dma_start3A_364 = tpu.memref_squeeze %dma_start3A_363 : memref<1x1x80xi32, #tpu.memory_space<vmem>> -> memref<80xi32, #tpu.memory_space<vmem>>
      %dma_start3A_365 = arith.constant 0 : i32
      %dma_start3A_366 = arith.constant 0 : i32
      %dma_start3A_367 = tpu.memref_slice %arg10[%dma_start3A_365, %dma_start3A_366] : memref<10000x128xf32, #tpu.memory_space<vmem_shared>> -> memref<10000x128xf32, #tpu.memory_space<vmem_shared>>
      tpu.enqueue_indirect_dma source(%arg8 : memref<80x128xf32, #tpu.memory_space<vmem>>) target(%dma_start3A_367 : memref<10000x128xf32, #tpu.memory_space<vmem_shared>>) offsets(%dma_start3A_364 : memref<80xi32, #tpu.memory_space<vmem>>) semaphore(%arg16 : memref<!tpu.dma_semaphore, #tpu.memory_space<semaphore_mem>>) {add = true}
      %add3A_368 = arith.constant 1 : i32
      %add3A_369 = arith.addi %mul3A_287, %add3A_368 : i32
      %rem3A_370 = arith.constant 20 : i32
      %rem3A_371 = arith.remsi %add3A_369, %rem3A_370 : i32
      %dma_wait3A_372 = arith.constant 0 : i32
      %dma_wait3A_373 = arith.constant 0 : i32
      %dma_wait3A_374 = tpu.memref_slice %arg6[%rem3A_371, %dma_wait3A_372, %dma_wait3A_373] : memref<20x1x80xi32, #tpu.memory_space<vmem>> -> memref<1x1x80xi32, #tpu.memory_space<vmem>>
      %dma_wait3A_375 = tpu.memref_squeeze %dma_wait3A_374 : memref<1x1x80xi32, #tpu.memory_space<vmem>> -> memref<80xi32, #tpu.memory_space<vmem>>
      %dma_wait3A_376 = arith.constant 0 : i32
      %dma_wait3A_377 = arith.constant 0 : i32
      %dma_wait3A_378 = tpu.memref_slice %arg2[%dma_wait3A_376, %dma_wait3A_377] : memref<10000x128xf32, #tpu.memory_space<hbm>> -> memref<10000x128xf32, #tpu.memory_space<hbm>>
      tpu.wait_indirect_dma semaphore(%arg15 : memref<!tpu.dma_semaphore, #tpu.memory_space<semaphore_mem>>) src(%dma_wait3A_378 : memref<10000x128xf32, #tpu.memory_space<hbm>>) dst(%arg9 : memref<80x128xf32, #tpu.memory_space<vmem>>)
      %rem3A_379 = arith.constant 20 : i32
      %rem3A_380 = arith.remsi %add3A_369, %rem3A_379 : i32
      %dma_start3A_381 = arith.constant 0 : i32
      %dma_start3A_382 = arith.constant 0 : i32
      %dma_start3A_383 = tpu.memref_slice %arg7[%rem3A_380, %dma_start3A_381, %dma_start3A_382] : memref<20x1x80xi32, #tpu.memory_space<vmem>> -> memref<1x1x80xi32, #tpu.memory_space<vmem>>
      %dma_start3A_384 = tpu.memref_squeeze %dma_start3A_383 : memref<1x1x80xi32, #tpu.memory_space<vmem>> -> memref<80xi32, #tpu.memory_space<vmem>>
      %dma_start3A_385 = arith.constant 0 : i32
      %dma_start3A_386 = arith.constant 0 : i32
      %dma_start3A_387 = tpu.memref_slice %arg10[%dma_start3A_385, %dma_start3A_386] : memref<10000x128xf32, #tpu.memory_space<vmem_shared>> -> memref<10000x128xf32, #tpu.memory_space<vmem_shared>>
      tpu.enqueue_indirect_dma source(%arg9 : memref<80x128xf32, #tpu.memory_space<vmem>>) target(%dma_start3A_387 : memref<10000x128xf32, #tpu.memory_space<vmem_shared>>) offsets(%dma_start3A_384 : memref<80xi32, #tpu.memory_space<vmem>>) semaphore(%arg17 : memref<!tpu.dma_semaphore, #tpu.memory_space<semaphore_mem>>) {add = true}
    }
    %scan3A_153 = arith.constant 125 : i32
    %rem3A = arith.constant 248 : i32
    %rem3A_154 = arith.constant 20 : i32
    %rem3A_155 = arith.remsi %rem3A, %rem3A_154 : i32
    %dma_wait3A = arith.constant 0 : i32
    %dma_wait3A_156 = arith.constant 0 : i32
    %dma_wait3A_157 = tpu.memref_slice %arg7[%rem3A_155, %dma_wait3A, %dma_wait3A_156] : memref<20x1x80xi32, #tpu.memory_space<vmem>> -> memref<1x1x80xi32, #tpu.memory_space<vmem>>
    %dma_wait3A_158 = tpu.memref_squeeze %dma_wait3A_157 : memref<1x1x80xi32, #tpu.memory_space<vmem>> -> memref<80xi32, #tpu.memory_space<vmem>>
    %dma_wait3A_159 = arith.constant 0 : i32
    %dma_wait3A_160 = arith.constant 0 : i32
    %dma_wait3A_161 = tpu.memref_slice %arg10[%dma_wait3A_159, %dma_wait3A_160] : memref<10000x128xf32, #tpu.memory_space<vmem_shared>> -> memref<10000x128xf32, #tpu.memory_space<vmem_shared>>
    tpu.wait_indirect_dma semaphore(%arg16 : memref<!tpu.dma_semaphore, #tpu.memory_space<semaphore_mem>>) src(%arg8 : memref<80x128xf32, #tpu.memory_space<vmem>>) dst(%dma_wait3A_161 : memref<10000x128xf32, #tpu.memory_space<vmem_shared>>)
    %rem3A_162 = arith.constant 249 : i32
    %rem3A_163 = arith.constant 20 : i32
    %rem3A_164 = arith.remsi %rem3A_162, %rem3A_163 : i32
    %dma_wait3A_165 = arith.constant 0 : i32
    %dma_wait3A_166 = arith.constant 0 : i32
    %dma_wait3A_167 = tpu.memref_slice %arg7[%rem3A_164, %dma_wait3A_165, %dma_wait3A_166] : memref<20x1x80xi32, #tpu.memory_space<vmem>> -> memref<1x1x80xi32, #tpu.memory_space<vmem>>
    %dma_wait3A_168 = tpu.memref_squeeze %dma_wait3A_167 : memref<1x1x80xi32, #tpu.memory_space<vmem>> -> memref<80xi32, #tpu.memory_space<vmem>>
    %dma_wait3A_169 = arith.constant 0 : i32
    %dma_wait3A_170 = arith.constant 0 : i32
    %dma_wait3A_171 = tpu.memref_slice %arg10[%dma_wait3A_169, %dma_wait3A_170] : memref<10000x128xf32, #tpu.memory_space<vmem_shared>> -> memref<10000x128xf32, #tpu.memory_space<vmem_shared>>
    tpu.wait_indirect_dma semaphore(%arg17 : memref<!tpu.dma_semaphore, #tpu.memory_space<semaphore_mem>>) src(%arg9 : memref<80x128xf32, #tpu.memory_space<vmem>>) dst(%dma_wait3A_171 : memref<10000x128xf32, #tpu.memory_space<vmem_shared>>)
    %barrier3A_172 = arith.constant 0 : index
    tpu.barrier barrier_id(%barrier3A_172)
    %add3A_173 = arith.constant 0 : i32
    %add3A_174 = arith.addi %add3A_173, %arg1 : i32
    %lt3A_175 = arith.constant 125 : i32
    %lt3A_176 = arith.cmpi slt, %add3A_174, %lt3A_175 : i32
    %convert_element_type3A_177 = arith.extui %lt3A_176 : i1 to i32
    %cond3A_178 = arith.constant 0 : i32
    %cond3A_179 = arith.cmpi ne, %convert_element_type3A_177, %cond3A_178 : i32
    scf.if %cond3A_179 {
      %mul3A_285 = arith.constant 80 : i32
      %mul3A_286 = arith.muli %add3A_174, %mul3A_285 : i32
      %mul3A_287 = arith.constant 80 : i32
      %mul3A_288 = arith.muli %add3A_174, %mul3A_287 : i32
      %dma_start3A_289 = arith.constant 0 : i32
      %dma_start3A_290 = tpu.memref_slice %arg5[%arg0, %mul3A_288, %dma_start3A_289] : memref<2x10000x128xf32, #tpu.memory_space<hbm>> -> memref<1x80x128xf32, #tpu.memory_space<hbm>>
      %dma_start3A_291 = tpu.memref_squeeze %dma_start3A_290 : memref<1x80x128xf32, #tpu.memory_space<hbm>> -> memref<80x128xf32, #tpu.memory_space<hbm>>
      %dma_start3A_292 = arith.constant 0 : i32
      %dma_start3A_293 = tpu.memref_slice %arg10[%mul3A_286, %dma_start3A_292] : memref<10000x128xf32, #tpu.memory_space<vmem_shared>> -> memref<80x128xf32, #tpu.memory_space<vmem_shared>>
      tpu.enqueue_dma source(%dma_start3A_293 : memref<80x128xf32, #tpu.memory_space<vmem_shared>>) target(%dma_start3A_291 : memref<80x128xf32, #tpu.memory_space<hbm>>) target_semaphore(%arg13 : memref<!tpu.dma_semaphore, #tpu.memory_space<semaphore_mem>>)
    } else {
    }
    %add3A_180 = arith.constant 16 : i32
    %add3A_181 = arith.addi %add3A_180, %arg1 : i32
    %lt3A_182 = arith.constant 125 : i32
    %lt3A_183 = arith.cmpi slt, %add3A_181, %lt3A_182 : i32
    %convert_element_type3A_184 = arith.extui %lt3A_183 : i1 to i32
    %cond3A_185 = arith.constant 0 : i32
    %cond3A_186 = arith.cmpi ne, %convert_element_type3A_184, %cond3A_185 : i32
    scf.if %cond3A_186 {
      %mul3A_285 = arith.constant 80 : i32
      %mul3A_286 = arith.muli %add3A_181, %mul3A_285 : i32
      %mul3A_287 = arith.constant 80 : i32
      %mul3A_288 = arith.muli %add3A_181, %mul3A_287 : i32
      %dma_start3A_289 = arith.constant 0 : i32
      %dma_start3A_290 = tpu.memref_slice %arg5[%arg0, %mul3A_288, %dma_start3A_289] : memref<2x10000x128xf32, #tpu.memory_space<hbm>> -> memref<1x80x128xf32, #tpu.memory_space<hbm>>
      %dma_start3A_291 = tpu.memref_squeeze %dma_start3A_290 : memref<1x80x128xf32, #tpu.memory_space<hbm>> -> memref<80x128xf32, #tpu.memory_space<hbm>>
      %dma_start3A_292 = arith.constant 0 : i32
      %dma_start3A_293 = tpu.memref_slice %arg10[%mul3A_286, %dma_start3A_292] : memref<10000x128xf32, #tpu.memory_space<vmem_shared>> -> memref<80x128xf32, #tpu.memory_space<vmem_shared>>
      tpu.enqueue_dma source(%dma_start3A_293 : memref<80x128xf32, #tpu.memory_space<vmem_shared>>) target(%dma_start3A_291 : memref<80x128xf32, #tpu.memory_space<hbm>>) target_semaphore(%arg13 : memref<!tpu.dma_semaphore, #tpu.memory_space<semaphore_mem>>)
    } else {
    }
    %add3A_187 = arith.constant 32 : i32
    %add3A_188 = arith.addi %add3A_187, %arg1 : i32
    %lt3A_189 = arith.constant 125 : i32
    %lt3A_190 = arith.cmpi slt, %add3A_188, %lt3A_189 : i32
    %convert_element_type3A_191 = arith.extui %lt3A_190 : i1 to i32
    %cond3A_192 = arith.constant 0 : i32
    %cond3A_193 = arith.cmpi ne, %convert_element_type3A_191, %cond3A_192 : i32
    scf.if %cond3A_193 {
      %mul3A_285 = arith.constant 80 : i32
      %mul3A_286 = arith.muli %add3A_188, %mul3A_285 : i32
      %mul3A_287 = arith.constant 80 : i32
      %mul3A_288 = arith.muli %add3A_188, %mul3A_287 : i32
      %dma_start3A_289 = arith.constant 0 : i32
      %dma_start3A_290 = tpu.memref_slice %arg5[%arg0, %mul3A_288, %dma_start3A_289] : memref<2x10000x128xf32, #tpu.memory_space<hbm>> -> memref<1x80x128xf32, #tpu.memory_space<hbm>>
      %dma_start3A_291 = tpu.memref_squeeze %dma_start3A_290 : memref<1x80x128xf32, #tpu.memory_space<hbm>> -> memref<80x128xf32, #tpu.memory_space<hbm>>
      %dma_start3A_292 = arith.constant 0 : i32
      %dma_start3A_293 = tpu.memref_slice %arg10[%mul3A_286, %dma_start3A_292] : memref<10000x128xf32, #tpu.memory_space<vmem_shared>> -> memref<80x128xf32, #tpu.memory_space<vmem_shared>>
      tpu.enqueue_dma source(%dma_start3A_293 : memref<80x128xf32, #tpu.memory_space<vmem_shared>>) target(%dma_start3A_291 : memref<80x128xf32, #tpu.memory_space<hbm>>) target_semaphore(%arg13 : memref<!tpu.dma_semaphore, #tpu.memory_space<semaphore_mem>>)
    } else {
    }
    %add3A_194 = arith.constant 48 : i32
    %add3A_195 = arith.addi %add3A_194, %arg1 : i32
    %lt3A_196 = arith.constant 125 : i32
    %lt3A_197 = arith.cmpi slt, %add3A_195, %lt3A_196 : i32
    %convert_element_type3A_198 = arith.extui %lt3A_197 : i1 to i32
    %cond3A_199 = arith.constant 0 : i32
    %cond3A_200 = arith.cmpi ne, %convert_element_type3A_198, %cond3A_199 : i32
    scf.if %cond3A_200 {
      %mul3A_285 = arith.constant 80 : i32
      %mul3A_286 = arith.muli %add3A_195, %mul3A_285 : i32
      %mul3A_287 = arith.constant 80 : i32
      %mul3A_288 = arith.muli %add3A_195, %mul3A_287 : i32
      %dma_start3A_289 = arith.constant 0 : i32
      %dma_start3A_290 = tpu.memref_slice %arg5[%arg0, %mul3A_288, %dma_start3A_289] : memref<2x10000x128xf32, #tpu.memory_space<hbm>> -> memref<1x80x128xf32, #tpu.memory_space<hbm>>
      %dma_start3A_291 = tpu.memref_squeeze %dma_start3A_290 : memref<1x80x128xf32, #tpu.memory_space<hbm>> -> memref<80x128xf32, #tpu.memory_space<hbm>>
      %dma_start3A_292 = arith.constant 0 : i32
      %dma_start3A_293 = tpu.memref_slice %arg10[%mul3A_286, %dma_start3A_292] : memref<10000x128xf32, #tpu.memory_space<vmem_shared>> -> memref<80x128xf32, #tpu.memory_space<vmem_shared>>
      tpu.enqueue_dma source(%dma_start3A_293 : memref<80x128xf32, #tpu.memory_space<vmem_shared>>) target(%dma_start3A_291 : memref<80x128xf32, #tpu.memory_space<hbm>>) target_semaphore(%arg13 : memref<!tpu.dma_semaphore, #tpu.memory_space<semaphore_mem>>)
    } else {
    }
    %add3A_201 = arith.constant 64 : i32
    %add3A_202 = arith.addi %add3A_201, %arg1 : i32
    %lt3A_203 = arith.constant 125 : i32
    %lt3A_204 = arith.cmpi slt, %add3A_202, %lt3A_203 : i32
    %convert_element_type3A_205 = arith.extui %lt3A_204 : i1 to i32
    %cond3A_206 = arith.constant 0 : i32
    %cond3A_207 = arith.cmpi ne, %convert_element_type3A_205, %cond3A_206 : i32
    scf.if %cond3A_207 {
      %mul3A_285 = arith.constant 80 : i32
      %mul3A_286 = arith.muli %add3A_202, %mul3A_285 : i32
      %mul3A_287 = arith.constant 80 : i32
      %mul3A_288 = arith.muli %add3A_202, %mul3A_287 : i32
      %dma_start3A_289 = arith.constant 0 : i32
      %dma_start3A_290 = tpu.memref_slice %arg5[%arg0, %mul3A_288, %dma_start3A_289] : memref<2x10000x128xf32, #tpu.memory_space<hbm>> -> memref<1x80x128xf32, #tpu.memory_space<hbm>>
      %dma_start3A_291 = tpu.memref_squeeze %dma_start3A_290 : memref<1x80x128xf32, #tpu.memory_space<hbm>> -> memref<80x128xf32, #tpu.memory_space<hbm>>
      %dma_start3A_292 = arith.constant 0 : i32
      %dma_start3A_293 = tpu.memref_slice %arg10[%mul3A_286, %dma_start3A_292] : memref<10000x128xf32, #tpu.memory_space<vmem_shared>> -> memref<80x128xf32, #tpu.memory_space<vmem_shared>>
      tpu.enqueue_dma source(%dma_start3A_293 : memref<80x128xf32, #tpu.memory_space<vmem_shared>>) target(%dma_start3A_291 : memref<80x128xf32, #tpu.memory_space<hbm>>) target_semaphore(%arg13 : memref<!tpu.dma_semaphore, #tpu.memory_space<semaphore_mem>>)
    } else {
    }
    %add3A_208 = arith.constant 80 : i32
    %add3A_209 = arith.addi %add3A_208, %arg1 : i32
    %lt3A_210 = arith.constant 125 : i32
    %lt3A_211 = arith.cmpi slt, %add3A_209, %lt3A_210 : i32
    %convert_element_type3A_212 = arith.extui %lt3A_211 : i1 to i32
    %cond3A_213 = arith.constant 0 : i32
    %cond3A_214 = arith.cmpi ne, %convert_element_type3A_212, %cond3A_213 : i32
    scf.if %cond3A_214 {
      %mul3A_285 = arith.constant 80 : i32
      %mul3A_286 = arith.muli %add3A_209, %mul3A_285 : i32
      %mul3A_287 = arith.constant 80 : i32
      %mul3A_288 = arith.muli %add3A_209, %mul3A_287 : i32
      %dma_start3A_289 = arith.constant 0 : i32
      %dma_start3A_290 = tpu.memref_slice %arg5[%arg0, %mul3A_288, %dma_start3A_289] : memref<2x10000x128xf32, #tpu.memory_space<hbm>> -> memref<1x80x128xf32, #tpu.memory_space<hbm>>
      %dma_start3A_291 = tpu.memref_squeeze %dma_start3A_290 : memref<1x80x128xf32, #tpu.memory_space<hbm>> -> memref<80x128xf32, #tpu.memory_space<hbm>>
      %dma_start3A_292 = arith.constant 0 : i32
      %dma_start3A_293 = tpu.memref_slice %arg10[%mul3A_286, %dma_start3A_292] : memref<10000x128xf32, #tpu.memory_space<vmem_shared>> -> memref<80x128xf32, #tpu.memory_space<vmem_shared>>
      tpu.enqueue_dma source(%dma_start3A_293 : memref<80x128xf32, #tpu.memory_space<vmem_shared>>) target(%dma_start3A_291 : memref<80x128xf32, #tpu.memory_space<hbm>>) target_semaphore(%arg13 : memref<!tpu.dma_semaphore, #tpu.memory_space<semaphore_mem>>)
    } else {
    }
    %add3A_215 = arith.constant 96 : i32
    %add3A_216 = arith.addi %add3A_215, %arg1 : i32
    %lt3A_217 = arith.constant 125 : i32
    %lt3A_218 = arith.cmpi slt, %add3A_216, %lt3A_217 : i32
    %convert_element_type3A_219 = arith.extui %lt3A_218 : i1 to i32
    %cond3A_220 = arith.constant 0 : i32
    %cond3A_221 = arith.cmpi ne, %convert_element_type3A_219, %cond3A_220 : i32
    scf.if %cond3A_221 {
      %mul3A_285 = arith.constant 80 : i32
      %mul3A_286 = arith.muli %add3A_216, %mul3A_285 : i32
      %mul3A_287 = arith.constant 80 : i32
      %mul3A_288 = arith.muli %add3A_216, %mul3A_287 : i32
      %dma_start3A_289 = arith.constant 0 : i32
      %dma_start3A_290 = tpu.memref_slice %arg5[%arg0, %mul3A_288, %dma_start3A_289] : memref<2x10000x128xf32, #tpu.memory_space<hbm>> -> memref<1x80x128xf32, #tpu.memory_space<hbm>>
      %dma_start3A_291 = tpu.memref_squeeze %dma_start3A_290 : memref<1x80x128xf32, #tpu.memory_space<hbm>> -> memref<80x128xf32, #tpu.memory_space<hbm>>
      %dma_start3A_292 = arith.constant 0 : i32
      %dma_start3A_293 = tpu.memref_slice %arg10[%mul3A_286, %dma_start3A_292] : memref<10000x128xf32, #tpu.memory_space<vmem_shared>> -> memref<80x128xf32, #tpu.memory_space<vmem_shared>>
      tpu.enqueue_dma source(%dma_start3A_293 : memref<80x128xf32, #tpu.memory_space<vmem_shared>>) target(%dma_start3A_291 : memref<80x128xf32, #tpu.memory_space<hbm>>) target_semaphore(%arg13 : memref<!tpu.dma_semaphore, #tpu.memory_space<semaphore_mem>>)
    } else {
    }
    %add3A_222 = arith.constant 112 : i32
    %add3A_223 = arith.addi %add3A_222, %arg1 : i32
    %lt3A_224 = arith.constant 125 : i32
    %lt3A_225 = arith.cmpi slt, %add3A_223, %lt3A_224 : i32
    %convert_element_type3A_226 = arith.extui %lt3A_225 : i1 to i32
    %cond3A_227 = arith.constant 0 : i32
    %cond3A_228 = arith.cmpi ne, %convert_element_type3A_226, %cond3A_227 : i32
    scf.if %cond3A_228 {
      %mul3A_285 = arith.constant 80 : i32
      %mul3A_286 = arith.muli %add3A_223, %mul3A_285 : i32
      %mul3A_287 = arith.constant 80 : i32
      %mul3A_288 = arith.muli %add3A_223, %mul3A_287 : i32
      %dma_start3A_289 = arith.constant 0 : i32
      %dma_start3A_290 = tpu.memref_slice %arg5[%arg0, %mul3A_288, %dma_start3A_289] : memref<2x10000x128xf32, #tpu.memory_space<hbm>> -> memref<1x80x128xf32, #tpu.memory_space<hbm>>
      %dma_start3A_291 = tpu.memref_squeeze %dma_start3A_290 : memref<1x80x128xf32, #tpu.memory_space<hbm>> -> memref<80x128xf32, #tpu.memory_space<hbm>>
      %dma_start3A_292 = arith.constant 0 : i32
      %dma_start3A_293 = tpu.memref_slice %arg10[%mul3A_286, %dma_start3A_292] : memref<10000x128xf32, #tpu.memory_space<vmem_shared>> -> memref<80x128xf32, #tpu.memory_space<vmem_shared>>
      tpu.enqueue_dma source(%dma_start3A_293 : memref<80x128xf32, #tpu.memory_space<vmem_shared>>) target(%dma_start3A_291 : memref<80x128xf32, #tpu.memory_space<hbm>>) target_semaphore(%arg13 : memref<!tpu.dma_semaphore, #tpu.memory_space<semaphore_mem>>)
    } else {
    }
    %add3A_229 = arith.constant 0 : i32
    %add3A_230 = arith.addi %add3A_229, %arg1 : i32
    %lt3A_231 = arith.constant 125 : i32
    %lt3A_232 = arith.cmpi slt, %add3A_230, %lt3A_231 : i32
    %convert_element_type3A_233 = arith.extui %lt3A_232 : i1 to i32
    %cond3A_234 = arith.constant 0 : i32
    %cond3A_235 = arith.cmpi ne, %convert_element_type3A_233, %cond3A_234 : i32
    scf.if %cond3A_235 {
      %mul3A_285 = arith.constant 80 : i32
      %mul3A_286 = arith.muli %add3A_230, %mul3A_285 : i32
      %mul3A_287 = arith.constant 80 : i32
      %mul3A_288 = arith.muli %add3A_230, %mul3A_287 : i32
      %dma_wait3A_289 = arith.constant 0 : i32
      %dma_wait3A_290 = tpu.memref_slice %arg5[%arg0, %mul3A_288, %dma_wait3A_289] : memref<2x10000x128xf32, #tpu.memory_space<hbm>> -> memref<1x80x128xf32, #tpu.memory_space<hbm>>
      %dma_wait3A_291 = tpu.memref_squeeze %dma_wait3A_290 : memref<1x80x128xf32, #tpu.memory_space<hbm>> -> memref<80x128xf32, #tpu.memory_space<hbm>>
      %dma_wait3A_292 = arith.constant 0 : i32
      %dma_wait3A_293 = tpu.memref_slice %arg10[%mul3A_286, %dma_wait3A_292] : memref<10000x128xf32, #tpu.memory_space<vmem_shared>> -> memref<80x128xf32, #tpu.memory_space<vmem_shared>>
      tpu.wait_dma2 semaphore(%arg13 : memref<!tpu.dma_semaphore, #tpu.memory_space<semaphore_mem>>) src(%dma_wait3A_293 : memref<80x128xf32, #tpu.memory_space<vmem_shared>>) dst(%dma_wait3A_291 : memref<80x128xf32, #tpu.memory_space<hbm>>)
    } else {
    }
    %add3A_236 = arith.constant 16 : i32
    %add3A_237 = arith.addi %add3A_236, %arg1 : i32
    %lt3A_238 = arith.constant 125 : i32
    %lt3A_239 = arith.cmpi slt, %add3A_237, %lt3A_238 : i32
    %convert_element_type3A_240 = arith.extui %lt3A_239 : i1 to i32
    %cond3A_241 = arith.constant 0 : i32
    %cond3A_242 = arith.cmpi ne, %convert_element_type3A_240, %cond3A_241 : i32
    scf.if %cond3A_242 {
      %mul3A_285 = arith.constant 80 : i32
      %mul3A_286 = arith.muli %add3A_237, %mul3A_285 : i32
      %mul3A_287 = arith.constant 80 : i32
      %mul3A_288 = arith.muli %add3A_237, %mul3A_287 : i32
      %dma_wait3A_289 = arith.constant 0 : i32
      %dma_wait3A_290 = tpu.memref_slice %arg5[%arg0, %mul3A_288, %dma_wait3A_289] : memref<2x10000x128xf32, #tpu.memory_space<hbm>> -> memref<1x80x128xf32, #tpu.memory_space<hbm>>
      %dma_wait3A_291 = tpu.memref_squeeze %dma_wait3A_290 : memref<1x80x128xf32, #tpu.memory_space<hbm>> -> memref<80x128xf32, #tpu.memory_space<hbm>>
      %dma_wait3A_292 = arith.constant 0 : i32
      %dma_wait3A_293 = tpu.memref_slice %arg10[%mul3A_286, %dma_wait3A_292] : memref<10000x128xf32, #tpu.memory_space<vmem_shared>> -> memref<80x128xf32, #tpu.memory_space<vmem_shared>>
      tpu.wait_dma2 semaphore(%arg13 : memref<!tpu.dma_semaphore, #tpu.memory_space<semaphore_mem>>) src(%dma_wait3A_293 : memref<80x128xf32, #tpu.memory_space<vmem_shared>>) dst(%dma_wait3A_291 : memref<80x128xf32, #tpu.memory_space<hbm>>)
    } else {
    }
    %add3A_243 = arith.constant 32 : i32
    %add3A_244 = arith.addi %add3A_243, %arg1 : i32
    %lt3A_245 = arith.constant 125 : i32
    %lt3A_246 = arith.cmpi slt, %add3A_244, %lt3A_245 : i32
    %convert_element_type3A_247 = arith.extui %lt3A_246 : i1 to i32
    %cond3A_248 = arith.constant 0 : i32
    %cond3A_249 = arith.cmpi ne, %convert_element_type3A_247, %cond3A_248 : i32
    scf.if %cond3A_249 {
      %mul3A_285 = arith.constant 80 : i32
      %mul3A_286 = arith.muli %add3A_244, %mul3A_285 : i32
      %mul3A_287 = arith.constant 80 : i32
      %mul3A_288 = arith.muli %add3A_244, %mul3A_287 : i32
      %dma_wait3A_289 = arith.constant 0 : i32
      %dma_wait3A_290 = tpu.memref_slice %arg5[%arg0, %mul3A_288, %dma_wait3A_289] : memref<2x10000x128xf32, #tpu.memory_space<hbm>> -> memref<1x80x128xf32, #tpu.memory_space<hbm>>
      %dma_wait3A_291 = tpu.memref_squeeze %dma_wait3A_290 : memref<1x80x128xf32, #tpu.memory_space<hbm>> -> memref<80x128xf32, #tpu.memory_space<hbm>>
      %dma_wait3A_292 = arith.constant 0 : i32
      %dma_wait3A_293 = tpu.memref_slice %arg10[%mul3A_286, %dma_wait3A_292] : memref<10000x128xf32, #tpu.memory_space<vmem_shared>> -> memref<80x128xf32, #tpu.memory_space<vmem_shared>>
      tpu.wait_dma2 semaphore(%arg13 : memref<!tpu.dma_semaphore, #tpu.memory_space<semaphore_mem>>) src(%dma_wait3A_293 : memref<80x128xf32, #tpu.memory_space<vmem_shared>>) dst(%dma_wait3A_291 : memref<80x128xf32, #tpu.memory_space<hbm>>)
    } else {
    }
    %add3A_250 = arith.constant 48 : i32
    %add3A_251 = arith.addi %add3A_250, %arg1 : i32
    %lt3A_252 = arith.constant 125 : i32
    %lt3A_253 = arith.cmpi slt, %add3A_251, %lt3A_252 : i32
    %convert_element_type3A_254 = arith.extui %lt3A_253 : i1 to i32
    %cond3A_255 = arith.constant 0 : i32
    %cond3A_256 = arith.cmpi ne, %convert_element_type3A_254, %cond3A_255 : i32
    scf.if %cond3A_256 {
      %mul3A_285 = arith.constant 80 : i32
      %mul3A_286 = arith.muli %add3A_251, %mul3A_285 : i32
      %mul3A_287 = arith.constant 80 : i32
      %mul3A_288 = arith.muli %add3A_251, %mul3A_287 : i32
      %dma_wait3A_289 = arith.constant 0 : i32
      %dma_wait3A_290 = tpu.memref_slice %arg5[%arg0, %mul3A_288, %dma_wait3A_289] : memref<2x10000x128xf32, #tpu.memory_space<hbm>> -> memref<1x80x128xf32, #tpu.memory_space<hbm>>
      %dma_wait3A_291 = tpu.memref_squeeze %dma_wait3A_290 : memref<1x80x128xf32, #tpu.memory_space<hbm>> -> memref<80x128xf32, #tpu.memory_space<hbm>>
      %dma_wait3A_292 = arith.constant 0 : i32
      %dma_wait3A_293 = tpu.memref_slice %arg10[%mul3A_286, %dma_wait3A_292] : memref<10000x128xf32, #tpu.memory_space<vmem_shared>> -> memref<80x128xf32, #tpu.memory_space<vmem_shared>>
      tpu.wait_dma2 semaphore(%arg13 : memref<!tpu.dma_semaphore, #tpu.memory_space<semaphore_mem>>) src(%dma_wait3A_293 : memref<80x128xf32, #tpu.memory_space<vmem_shared>>) dst(%dma_wait3A_291 : memref<80x128xf32, #tpu.memory_space<hbm>>)
    } else {
    }
    %add3A_257 = arith.constant 64 : i32
    %add3A_258 = arith.addi %add3A_257, %arg1 : i32
    %lt3A_259 = arith.constant 125 : i32
    %lt3A_260 = arith.cmpi slt, %add3A_258, %lt3A_259 : i32
    %convert_element_type3A_261 = arith.extui %lt3A_260 : i1 to i32
    %cond3A_262 = arith.constant 0 : i32
    %cond3A_263 = arith.cmpi ne, %convert_element_type3A_261, %cond3A_262 : i32
    scf.if %cond3A_263 {
      %mul3A_285 = arith.constant 80 : i32
      %mul3A_286 = arith.muli %add3A_258, %mul3A_285 : i32
      %mul3A_287 = arith.constant 80 : i32
      %mul3A_288 = arith.muli %add3A_258, %mul3A_287 : i32
      %dma_wait3A_289 = arith.constant 0 : i32
      %dma_wait3A_290 = tpu.memref_slice %arg5[%arg0, %mul3A_288, %dma_wait3A_289] : memref<2x10000x128xf32, #tpu.memory_space<hbm>> -> memref<1x80x128xf32, #tpu.memory_space<hbm>>
      %dma_wait3A_291 = tpu.memref_squeeze %dma_wait3A_290 : memref<1x80x128xf32, #tpu.memory_space<hbm>> -> memref<80x128xf32, #tpu.memory_space<hbm>>
      %dma_wait3A_292 = arith.constant 0 : i32
      %dma_wait3A_293 = tpu.memref_slice %arg10[%mul3A_286, %dma_wait3A_292] : memref<10000x128xf32, #tpu.memory_space<vmem_shared>> -> memref<80x128xf32, #tpu.memory_space<vmem_shared>>
      tpu.wait_dma2 semaphore(%arg13 : memref<!tpu.dma_semaphore, #tpu.memory_space<semaphore_mem>>) src(%dma_wait3A_293 : memref<80x128xf32, #tpu.memory_space<vmem_shared>>) dst(%dma_wait3A_291 : memref<80x128xf32, #tpu.memory_space<hbm>>)
    } else {
    }
    %add3A_264 = arith.constant 80 : i32
    %add3A_265 = arith.addi %add3A_264, %arg1 : i32
    %lt3A_266 = arith.constant 125 : i32
    %lt3A_267 = arith.cmpi slt, %add3A_265, %lt3A_266 : i32
    %convert_element_type3A_268 = arith.extui %lt3A_267 : i1 to i32
    %cond3A_269 = arith.constant 0 : i32
    %cond3A_270 = arith.cmpi ne, %convert_element_type3A_268, %cond3A_269 : i32
    scf.if %cond3A_270 {
      %mul3A_285 = arith.constant 80 : i32
      %mul3A_286 = arith.muli %add3A_265, %mul3A_285 : i32
      %mul3A_287 = arith.constant 80 : i32
      %mul3A_288 = arith.muli %add3A_265, %mul3A_287 : i32
      %dma_wait3A_289 = arith.constant 0 : i32
      %dma_wait3A_290 = tpu.memref_slice %arg5[%arg0, %mul3A_288, %dma_wait3A_289] : memref<2x10000x128xf32, #tpu.memory_space<hbm>> -> memref<1x80x128xf32, #tpu.memory_space<hbm>>
      %dma_wait3A_291 = tpu.memref_squeeze %dma_wait3A_290 : memref<1x80x128xf32, #tpu.memory_space<hbm>> -> memref<80x128xf32, #tpu.memory_space<hbm>>
      %dma_wait3A_292 = arith.constant 0 : i32
      %dma_wait3A_293 = tpu.memref_slice %arg10[%mul3A_286, %dma_wait3A_292] : memref<10000x128xf32, #tpu.memory_space<vmem_shared>> -> memref<80x128xf32, #tpu.memory_space<vmem_shared>>
      tpu.wait_dma2 semaphore(%arg13 : memref<!tpu.dma_semaphore, #tpu.memory_space<semaphore_mem>>) src(%dma_wait3A_293 : memref<80x128xf32, #tpu.memory_space<vmem_shared>>) dst(%dma_wait3A_291 : memref<80x128xf32, #tpu.memory_space<hbm>>)
    } else {
    }
    %add3A_271 = arith.constant 96 : i32
    %add3A_272 = arith.addi %add3A_271, %arg1 : i32
    %lt3A_273 = arith.constant 125 : i32
    %lt3A_274 = arith.cmpi slt, %add3A_272, %lt3A_273 : i32
    %convert_element_type3A_275 = arith.extui %lt3A_274 : i1 to i32
    %cond3A_276 = arith.constant 0 : i32
    %cond3A_277 = arith.cmpi ne, %convert_element_type3A_275, %cond3A_276 : i32
    scf.if %cond3A_277 {
      %mul3A_285 = arith.constant 80 : i32
      %mul3A_286 = arith.muli %add3A_272, %mul3A_285 : i32
      %mul3A_287 = arith.constant 80 : i32
      %mul3A_288 = arith.muli %add3A_272, %mul3A_287 : i32
      %dma_wait3A_289 = arith.constant 0 : i32
      %dma_wait3A_290 = tpu.memref_slice %arg5[%arg0, %mul3A_288, %dma_wait3A_289] : memref<2x10000x128xf32, #tpu.memory_space<hbm>> -> memref<1x80x128xf32, #tpu.memory_space<hbm>>
      %dma_wait3A_291 = tpu.memref_squeeze %dma_wait3A_290 : memref<1x80x128xf32, #tpu.memory_space<hbm>> -> memref<80x128xf32, #tpu.memory_space<hbm>>
      %dma_wait3A_292 = arith.constant 0 : i32
      %dma_wait3A_293 = tpu.memref_slice %arg10[%mul3A_286, %dma_wait3A_292] : memref<10000x128xf32, #tpu.memory_space<vmem_shared>> -> memref<80x128xf32, #tpu.memory_space<vmem_shared>>
      tpu.wait_dma2 semaphore(%arg13 : memref<!tpu.dma_semaphore, #tpu.memory_space<semaphore_mem>>) src(%dma_wait3A_293 : memref<80x128xf32, #tpu.memory_space<vmem_shared>>) dst(%dma_wait3A_291 : memref<80x128xf32, #tpu.memory_space<hbm>>)
    } else {
    }
    %add3A_278 = arith.constant 112 : i32
    %add3A_279 = arith.addi %add3A_278, %arg1 : i32
    %lt3A_280 = arith.constant 125 : i32
    %lt3A_281 = arith.cmpi slt, %add3A_279, %lt3A_280 : i32
    %convert_element_type3A_282 = arith.extui %lt3A_281 : i1 to i32
    %cond3A_283 = arith.constant 0 : i32
    %cond3A_284 = arith.cmpi ne, %convert_element_type3A_282, %cond3A_283 : i32
    scf.if %cond3A_284 {
      %mul3A_285 = arith.constant 80 : i32
      %mul3A_286 = arith.muli %add3A_279, %mul3A_285 : i32
      %mul3A_287 = arith.constant 80 : i32
      %mul3A_288 = arith.muli %add3A_279, %mul3A_287 : i32
      %dma_wait3A_289 = arith.constant 0 : i32
      %dma_wait3A_290 = tpu.memref_slice %arg5[%arg0, %mul3A_288, %dma_wait3A_289] : memref<2x10000x128xf32, #tpu.memory_space<hbm>> -> memref<1x80x128xf32, #tpu.memory_space<hbm>>
      %dma_wait3A_291 = tpu.memref_squeeze %dma_wait3A_290 : memref<1x80x128xf32, #tpu.memory_space<hbm>> -> memref<80x128xf32, #tpu.memory_space<hbm>>
      %dma_wait3A_292 = arith.constant 0 : i32
      %dma_wait3A_293 = tpu.memref_slice %arg10[%mul3A_286, %dma_wait3A_292] : memref<10000x128xf32, #tpu.memory_space<vmem_shared>> -> memref<80x128xf32, #tpu.memory_space<vmem_shared>>
      tpu.wait_dma2 semaphore(%arg13 : memref<!tpu.dma_semaphore, #tpu.memory_space<semaphore_mem>>) src(%dma_wait3A_293 : memref<80x128xf32, #tpu.memory_space<vmem_shared>>) dst(%dma_wait3A_291 : memref<80x128xf32, #tpu.memory_space<hbm>>)
    } else {
    }
    return
  }
}

#map = affine_map<(d0, d1) -> (0, 0, 0)>
#map1 = affine_map<(d0, d1) -> (0, 0)>
module attributes {stable_mosaic.version = 14 : i64} {
  func.func @_hist_body(%arg0: i32, %arg1: i32, %arg2: memref<8000x1x80xi32, #tpu.memory_space<hbm>>, %arg3: memref<2x10000xf32, #tpu.memory_space<hbm>>, %arg4: memref<250x1x80xi32, #tpu.memory_space<vmem>>, %arg5: memref<80xf32, #tpu.memory_space<vmem>>, %arg6: memref<10000xf32, #tpu.memory_space<vmem_shared>>, %arg7: memref<!tpu.dma_semaphore, #tpu.memory_space<semaphore_mem>>) attributes {dimension_semantics = [#tpu.dimension_semantics<core_parallel>, #tpu.dimension_semantics<subcore_parallel>], iteration_bounds = array<i64: 2, 16>, scalar_prefetch = 0 : i64, scratch_operands = 4 : i64, tpu.core_type = #tpu.core_type<sc_vector_subcore>, window_params = [{transform_indices = #map}, {transform_indices = #map1}]} {
    %broadcast_in_dim3A = arith.constant 0.000000e+00 : f32
    %broadcast_in_dim3A_0 = vector.broadcast %broadcast_in_dim3A : f32 to vector<16xf32>
    %swap3A = arith.constant 0 : index
    %swap3A_1 = tpu.vector_load %arg5[%swap3A] {strides = array<i32>} : memref<80xf32, #tpu.memory_space<vmem>>, vector<16xf32>,
    %swap3A_2 = vector.shape_cast %swap3A_1 : vector<16xf32> to vector<16xf32>
    %swap3A_3 = vector.shape_cast %broadcast_in_dim3A_0 : vector<16xf32> to vector<16xf32>
    tpu.vector_store %arg5[%swap3A], %swap3A_3 {strides = array<i32>} : memref<80xf32, #tpu.memory_space<vmem>>, vector<16xf32>,
    %swap3A_4 = arith.constant 16 : index
    %swap3A_5 = tpu.vector_load %arg5[%swap3A_4] {strides = array<i32>} : memref<80xf32, #tpu.memory_space<vmem>>, vector<16xf32>,
    %swap3A_6 = vector.shape_cast %swap3A_5 : vector<16xf32> to vector<16xf32>
    %swap3A_7 = vector.shape_cast %broadcast_in_dim3A_0 : vector<16xf32> to vector<16xf32>
    tpu.vector_store %arg5[%swap3A_4], %swap3A_7 {strides = array<i32>} : memref<80xf32, #tpu.memory_space<vmem>>, vector<16xf32>,
    %swap3A_8 = arith.constant 32 : index
    %swap3A_9 = tpu.vector_load %arg5[%swap3A_8] {strides = array<i32>} : memref<80xf32, #tpu.memory_space<vmem>>, vector<16xf32>,
    %swap3A_10 = vector.shape_cast %swap3A_9 : vector<16xf32> to vector<16xf32>
    %swap3A_11 = vector.shape_cast %broadcast_in_dim3A_0 : vector<16xf32> to vector<16xf32>
    tpu.vector_store %arg5[%swap3A_8], %swap3A_11 {strides = array<i32>} : memref<80xf32, #tpu.memory_space<vmem>>, vector<16xf32>,
    %swap3A_12 = arith.constant 48 : index
    %swap3A_13 = tpu.vector_load %arg5[%swap3A_12] {strides = array<i32>} : memref<80xf32, #tpu.memory_space<vmem>>, vector<16xf32>,
    %swap3A_14 = vector.shape_cast %swap3A_13 : vector<16xf32> to vector<16xf32>
    %swap3A_15 = vector.shape_cast %broadcast_in_dim3A_0 : vector<16xf32> to vector<16xf32>
    tpu.vector_store %arg5[%swap3A_12], %swap3A_15 {strides = array<i32>} : memref<80xf32, #tpu.memory_space<vmem>>, vector<16xf32>,
    %swap3A_16 = arith.constant 64 : index
    %swap3A_17 = tpu.vector_load %arg5[%swap3A_16] {strides = array<i32>} : memref<80xf32, #tpu.memory_space<vmem>>, vector<16xf32>,
    %swap3A_18 = vector.shape_cast %swap3A_17 : vector<16xf32> to vector<16xf32>
    %swap3A_19 = vector.shape_cast %broadcast_in_dim3A_0 : vector<16xf32> to vector<16xf32>
    tpu.vector_store %arg5[%swap3A_16], %swap3A_19 {strides = array<i32>} : memref<80xf32, #tpu.memory_space<vmem>>, vector<16xf32>,
    %add3A = arith.constant 0 : i32
    %add3A_20 = arith.addi %add3A, %arg1 : i32
    %lt3A = arith.constant 125 : i32
    %lt3A_21 = arith.cmpi slt, %add3A_20, %lt3A : i32
    %convert_element_type3A = arith.extui %lt3A_21 : i1 to i32
    %cond3A = arith.constant 0 : i32
    %cond3A_22 = arith.cmpi ne, %convert_element_type3A, %cond3A : i32
    scf.if %cond3A_22 {
      %mul3A_114 = arith.constant 80 : i32
      %mul3A_115 = arith.muli %add3A_20, %mul3A_114 : i32
      "tpu.region"() ({
        %run_scoped3A = tpu.sem_alloc : memref<!tpu.dma_semaphore, #tpu.memory_space<semaphore_mem>>
        %dma_start3A = tpu.memref_slice %arg6[%mul3A_115] : memref<10000xf32, #tpu.memory_space<vmem_shared>> -> memref<80xf32, #tpu.memory_space<vmem_shared>>
        %dma_start3A_116 = tpu.memref_slice %arg6[%mul3A_115] : memref<10000xf32, #tpu.memory_space<vmem_shared>> -> memref<80xf32, #tpu.memory_space<vmem_shared>>
        tpu.enqueue_dma source(%arg5 : memref<80xf32, #tpu.memory_space<vmem>>) target(%dma_start3A_116 : memref<80xf32, #tpu.memory_space<vmem_shared>>) target_semaphore(%run_scoped3A : memref<!tpu.dma_semaphore, #tpu.memory_space<semaphore_mem>>)
        %dma_wait3A = tpu.memref_slice %arg6[%mul3A_115] : memref<10000xf32, #tpu.memory_space<vmem_shared>> -> memref<80xf32, #tpu.memory_space<vmem_shared>>
        %dma_wait3A_117 = tpu.memref_slice %arg6[%mul3A_115] : memref<10000xf32, #tpu.memory_space<vmem_shared>> -> memref<80xf32, #tpu.memory_space<vmem_shared>>
        tpu.wait_dma2 semaphore(%run_scoped3A : memref<!tpu.dma_semaphore, #tpu.memory_space<semaphore_mem>>) src(%arg5 : memref<80xf32, #tpu.memory_space<vmem>>) dst(%dma_wait3A_117 : memref<80xf32, #tpu.memory_space<vmem_shared>>)
        tpu.yield
      }) : () -> ()
    } else {
    }
    %add3A_23 = arith.constant 16 : i32
    %add3A_24 = arith.addi %add3A_23, %arg1 : i32
    %lt3A_25 = arith.constant 125 : i32
    %lt3A_26 = arith.cmpi slt, %add3A_24, %lt3A_25 : i32
    %convert_element_type3A_27 = arith.extui %lt3A_26 : i1 to i32
    %cond3A_28 = arith.constant 0 : i32
    %cond3A_29 = arith.cmpi ne, %convert_element_type3A_27, %cond3A_28 : i32
    scf.if %cond3A_29 {
      %mul3A_114 = arith.constant 80 : i32
      %mul3A_115 = arith.muli %add3A_24, %mul3A_114 : i32
      "tpu.region"() ({
        %run_scoped3A = tpu.sem_alloc : memref<!tpu.dma_semaphore, #tpu.memory_space<semaphore_mem>>
        %dma_start3A = tpu.memref_slice %arg6[%mul3A_115] : memref<10000xf32, #tpu.memory_space<vmem_shared>> -> memref<80xf32, #tpu.memory_space<vmem_shared>>
        %dma_start3A_116 = tpu.memref_slice %arg6[%mul3A_115] : memref<10000xf32, #tpu.memory_space<vmem_shared>> -> memref<80xf32, #tpu.memory_space<vmem_shared>>
        tpu.enqueue_dma source(%arg5 : memref<80xf32, #tpu.memory_space<vmem>>) target(%dma_start3A_116 : memref<80xf32, #tpu.memory_space<vmem_shared>>) target_semaphore(%run_scoped3A : memref<!tpu.dma_semaphore, #tpu.memory_space<semaphore_mem>>)
        %dma_wait3A = tpu.memref_slice %arg6[%mul3A_115] : memref<10000xf32, #tpu.memory_space<vmem_shared>> -> memref<80xf32, #tpu.memory_space<vmem_shared>>
        %dma_wait3A_117 = tpu.memref_slice %arg6[%mul3A_115] : memref<10000xf32, #tpu.memory_space<vmem_shared>> -> memref<80xf32, #tpu.memory_space<vmem_shared>>
        tpu.wait_dma2 semaphore(%run_scoped3A : memref<!tpu.dma_semaphore, #tpu.memory_space<semaphore_mem>>) src(%arg5 : memref<80xf32, #tpu.memory_space<vmem>>) dst(%dma_wait3A_117 : memref<80xf32, #tpu.memory_space<vmem_shared>>)
        tpu.yield
      }) : () -> ()
    } else {
    }
    %add3A_30 = arith.constant 32 : i32
    %add3A_31 = arith.addi %add3A_30, %arg1 : i32
    %lt3A_32 = arith.constant 125 : i32
    %lt3A_33 = arith.cmpi slt, %add3A_31, %lt3A_32 : i32
    %convert_element_type3A_34 = arith.extui %lt3A_33 : i1 to i32
    %cond3A_35 = arith.constant 0 : i32
    %cond3A_36 = arith.cmpi ne, %convert_element_type3A_34, %cond3A_35 : i32
    scf.if %cond3A_36 {
      %mul3A_114 = arith.constant 80 : i32
      %mul3A_115 = arith.muli %add3A_31, %mul3A_114 : i32
      "tpu.region"() ({
        %run_scoped3A = tpu.sem_alloc : memref<!tpu.dma_semaphore, #tpu.memory_space<semaphore_mem>>
        %dma_start3A = tpu.memref_slice %arg6[%mul3A_115] : memref<10000xf32, #tpu.memory_space<vmem_shared>> -> memref<80xf32, #tpu.memory_space<vmem_shared>>
        %dma_start3A_116 = tpu.memref_slice %arg6[%mul3A_115] : memref<10000xf32, #tpu.memory_space<vmem_shared>> -> memref<80xf32, #tpu.memory_space<vmem_shared>>
        tpu.enqueue_dma source(%arg5 : memref<80xf32, #tpu.memory_space<vmem>>) target(%dma_start3A_116 : memref<80xf32, #tpu.memory_space<vmem_shared>>) target_semaphore(%run_scoped3A : memref<!tpu.dma_semaphore, #tpu.memory_space<semaphore_mem>>)
        %dma_wait3A = tpu.memref_slice %arg6[%mul3A_115] : memref<10000xf32, #tpu.memory_space<vmem_shared>> -> memref<80xf32, #tpu.memory_space<vmem_shared>>
        %dma_wait3A_117 = tpu.memref_slice %arg6[%mul3A_115] : memref<10000xf32, #tpu.memory_space<vmem_shared>> -> memref<80xf32, #tpu.memory_space<vmem_shared>>
        tpu.wait_dma2 semaphore(%run_scoped3A : memref<!tpu.dma_semaphore, #tpu.memory_space<semaphore_mem>>) src(%arg5 : memref<80xf32, #tpu.memory_space<vmem>>) dst(%dma_wait3A_117 : memref<80xf32, #tpu.memory_space<vmem_shared>>)
        tpu.yield
      }) : () -> ()
    } else {
    }
    %add3A_37 = arith.constant 48 : i32
    %add3A_38 = arith.addi %add3A_37, %arg1 : i32
    %lt3A_39 = arith.constant 125 : i32
    %lt3A_40 = arith.cmpi slt, %add3A_38, %lt3A_39 : i32
    %convert_element_type3A_41 = arith.extui %lt3A_40 : i1 to i32
    %cond3A_42 = arith.constant 0 : i32
    %cond3A_43 = arith.cmpi ne, %convert_element_type3A_41, %cond3A_42 : i32
    scf.if %cond3A_43 {
      %mul3A_114 = arith.constant 80 : i32
      %mul3A_115 = arith.muli %add3A_38, %mul3A_114 : i32
      "tpu.region"() ({
        %run_scoped3A = tpu.sem_alloc : memref<!tpu.dma_semaphore, #tpu.memory_space<semaphore_mem>>
        %dma_start3A = tpu.memref_slice %arg6[%mul3A_115] : memref<10000xf32, #tpu.memory_space<vmem_shared>> -> memref<80xf32, #tpu.memory_space<vmem_shared>>
        %dma_start3A_116 = tpu.memref_slice %arg6[%mul3A_115] : memref<10000xf32, #tpu.memory_space<vmem_shared>> -> memref<80xf32, #tpu.memory_space<vmem_shared>>
        tpu.enqueue_dma source(%arg5 : memref<80xf32, #tpu.memory_space<vmem>>) target(%dma_start3A_116 : memref<80xf32, #tpu.memory_space<vmem_shared>>) target_semaphore(%run_scoped3A : memref<!tpu.dma_semaphore, #tpu.memory_space<semaphore_mem>>)
        %dma_wait3A = tpu.memref_slice %arg6[%mul3A_115] : memref<10000xf32, #tpu.memory_space<vmem_shared>> -> memref<80xf32, #tpu.memory_space<vmem_shared>>
        %dma_wait3A_117 = tpu.memref_slice %arg6[%mul3A_115] : memref<10000xf32, #tpu.memory_space<vmem_shared>> -> memref<80xf32, #tpu.memory_space<vmem_shared>>
        tpu.wait_dma2 semaphore(%run_scoped3A : memref<!tpu.dma_semaphore, #tpu.memory_space<semaphore_mem>>) src(%arg5 : memref<80xf32, #tpu.memory_space<vmem>>) dst(%dma_wait3A_117 : memref<80xf32, #tpu.memory_space<vmem_shared>>)
        tpu.yield
      }) : () -> ()
    } else {
    }
    %add3A_44 = arith.constant 64 : i32
    %add3A_45 = arith.addi %add3A_44, %arg1 : i32
    %lt3A_46 = arith.constant 125 : i32
    %lt3A_47 = arith.cmpi slt, %add3A_45, %lt3A_46 : i32
    %convert_element_type3A_48 = arith.extui %lt3A_47 : i1 to i32
    %cond3A_49 = arith.constant 0 : i32
    %cond3A_50 = arith.cmpi ne, %convert_element_type3A_48, %cond3A_49 : i32
    scf.if %cond3A_50 {
      %mul3A_114 = arith.constant 80 : i32
      %mul3A_115 = arith.muli %add3A_45, %mul3A_114 : i32
      "tpu.region"() ({
        %run_scoped3A = tpu.sem_alloc : memref<!tpu.dma_semaphore, #tpu.memory_space<semaphore_mem>>
        %dma_start3A = tpu.memref_slice %arg6[%mul3A_115] : memref<10000xf32, #tpu.memory_space<vmem_shared>> -> memref<80xf32, #tpu.memory_space<vmem_shared>>
        %dma_start3A_116 = tpu.memref_slice %arg6[%mul3A_115] : memref<10000xf32, #tpu.memory_space<vmem_shared>> -> memref<80xf32, #tpu.memory_space<vmem_shared>>
        tpu.enqueue_dma source(%arg5 : memref<80xf32, #tpu.memory_space<vmem>>) target(%dma_start3A_116 : memref<80xf32, #tpu.memory_space<vmem_shared>>) target_semaphore(%run_scoped3A : memref<!tpu.dma_semaphore, #tpu.memory_space<semaphore_mem>>)
        %dma_wait3A = tpu.memref_slice %arg6[%mul3A_115] : memref<10000xf32, #tpu.memory_space<vmem_shared>> -> memref<80xf32, #tpu.memory_space<vmem_shared>>
        %dma_wait3A_117 = tpu.memref_slice %arg6[%mul3A_115] : memref<10000xf32, #tpu.memory_space<vmem_shared>> -> memref<80xf32, #tpu.memory_space<vmem_shared>>
        tpu.wait_dma2 semaphore(%run_scoped3A : memref<!tpu.dma_semaphore, #tpu.memory_space<semaphore_mem>>) src(%arg5 : memref<80xf32, #tpu.memory_space<vmem>>) dst(%dma_wait3A_117 : memref<80xf32, #tpu.memory_space<vmem_shared>>)
        tpu.yield
      }) : () -> ()
    } else {
    }
    %add3A_51 = arith.constant 80 : i32
    %add3A_52 = arith.addi %add3A_51, %arg1 : i32
    %lt3A_53 = arith.constant 125 : i32
    %lt3A_54 = arith.cmpi slt, %add3A_52, %lt3A_53 : i32
    %convert_element_type3A_55 = arith.extui %lt3A_54 : i1 to i32
    %cond3A_56 = arith.constant 0 : i32
    %cond3A_57 = arith.cmpi ne, %convert_element_type3A_55, %cond3A_56 : i32
    scf.if %cond3A_57 {
      %mul3A_114 = arith.constant 80 : i32
      %mul3A_115 = arith.muli %add3A_52, %mul3A_114 : i32
      "tpu.region"() ({
        %run_scoped3A = tpu.sem_alloc : memref<!tpu.dma_semaphore, #tpu.memory_space<semaphore_mem>>
        %dma_start3A = tpu.memref_slice %arg6[%mul3A_115] : memref<10000xf32, #tpu.memory_space<vmem_shared>> -> memref<80xf32, #tpu.memory_space<vmem_shared>>
        %dma_start3A_116 = tpu.memref_slice %arg6[%mul3A_115] : memref<10000xf32, #tpu.memory_space<vmem_shared>> -> memref<80xf32, #tpu.memory_space<vmem_shared>>
        tpu.enqueue_dma source(%arg5 : memref<80xf32, #tpu.memory_space<vmem>>) target(%dma_start3A_116 : memref<80xf32, #tpu.memory_space<vmem_shared>>) target_semaphore(%run_scoped3A : memref<!tpu.dma_semaphore, #tpu.memory_space<semaphore_mem>>)
        %dma_wait3A = tpu.memref_slice %arg6[%mul3A_115] : memref<10000xf32, #tpu.memory_space<vmem_shared>> -> memref<80xf32, #tpu.memory_space<vmem_shared>>
        %dma_wait3A_117 = tpu.memref_slice %arg6[%mul3A_115] : memref<10000xf32, #tpu.memory_space<vmem_shared>> -> memref<80xf32, #tpu.memory_space<vmem_shared>>
        tpu.wait_dma2 semaphore(%run_scoped3A : memref<!tpu.dma_semaphore, #tpu.memory_space<semaphore_mem>>) src(%arg5 : memref<80xf32, #tpu.memory_space<vmem>>) dst(%dma_wait3A_117 : memref<80xf32, #tpu.memory_space<vmem_shared>>)
        tpu.yield
      }) : () -> ()
    } else {
    }
    %add3A_58 = arith.constant 96 : i32
    %add3A_59 = arith.addi %add3A_58, %arg1 : i32
    %lt3A_60 = arith.constant 125 : i32
    %lt3A_61 = arith.cmpi slt, %add3A_59, %lt3A_60 : i32
    %convert_element_type3A_62 = arith.extui %lt3A_61 : i1 to i32
    %cond3A_63 = arith.constant 0 : i32
    %cond3A_64 = arith.cmpi ne, %convert_element_type3A_62, %cond3A_63 : i32
    scf.if %cond3A_64 {
      %mul3A_114 = arith.constant 80 : i32
      %mul3A_115 = arith.muli %add3A_59, %mul3A_114 : i32
      "tpu.region"() ({
        %run_scoped3A = tpu.sem_alloc : memref<!tpu.dma_semaphore, #tpu.memory_space<semaphore_mem>>
        %dma_start3A = tpu.memref_slice %arg6[%mul3A_115] : memref<10000xf32, #tpu.memory_space<vmem_shared>> -> memref<80xf32, #tpu.memory_space<vmem_shared>>
        %dma_start3A_116 = tpu.memref_slice %arg6[%mul3A_115] : memref<10000xf32, #tpu.memory_space<vmem_shared>> -> memref<80xf32, #tpu.memory_space<vmem_shared>>
        tpu.enqueue_dma source(%arg5 : memref<80xf32, #tpu.memory_space<vmem>>) target(%dma_start3A_116 : memref<80xf32, #tpu.memory_space<vmem_shared>>) target_semaphore(%run_scoped3A : memref<!tpu.dma_semaphore, #tpu.memory_space<semaphore_mem>>)
        %dma_wait3A = tpu.memref_slice %arg6[%mul3A_115] : memref<10000xf32, #tpu.memory_space<vmem_shared>> -> memref<80xf32, #tpu.memory_space<vmem_shared>>
        %dma_wait3A_117 = tpu.memref_slice %arg6[%mul3A_115] : memref<10000xf32, #tpu.memory_space<vmem_shared>> -> memref<80xf32, #tpu.memory_space<vmem_shared>>
        tpu.wait_dma2 semaphore(%run_scoped3A : memref<!tpu.dma_semaphore, #tpu.memory_space<semaphore_mem>>) src(%arg5 : memref<80xf32, #tpu.memory_space<vmem>>) dst(%dma_wait3A_117 : memref<80xf32, #tpu.memory_space<vmem_shared>>)
        tpu.yield
      }) : () -> ()
    } else {
    }
    %add3A_65 = arith.constant 112 : i32
    %add3A_66 = arith.addi %add3A_65, %arg1 : i32
    %lt3A_67 = arith.constant 125 : i32
    %lt3A_68 = arith.cmpi slt, %add3A_66, %lt3A_67 : i32
    %convert_element_type3A_69 = arith.extui %lt3A_68 : i1 to i32
    %cond3A_70 = arith.constant 0 : i32
    %cond3A_71 = arith.cmpi ne, %convert_element_type3A_69, %cond3A_70 : i32
    scf.if %cond3A_71 {
      %mul3A_114 = arith.constant 80 : i32
      %mul3A_115 = arith.muli %add3A_66, %mul3A_114 : i32
      "tpu.region"() ({
        %run_scoped3A = tpu.sem_alloc : memref<!tpu.dma_semaphore, #tpu.memory_space<semaphore_mem>>
        %dma_start3A = tpu.memref_slice %arg6[%mul3A_115] : memref<10000xf32, #tpu.memory_space<vmem_shared>> -> memref<80xf32, #tpu.memory_space<vmem_shared>>
        %dma_start3A_116 = tpu.memref_slice %arg6[%mul3A_115] : memref<10000xf32, #tpu.memory_space<vmem_shared>> -> memref<80xf32, #tpu.memory_space<vmem_shared>>
        tpu.enqueue_dma source(%arg5 : memref<80xf32, #tpu.memory_space<vmem>>) target(%dma_start3A_116 : memref<80xf32, #tpu.memory_space<vmem_shared>>) target_semaphore(%run_scoped3A : memref<!tpu.dma_semaphore, #tpu.memory_space<semaphore_mem>>)
        %dma_wait3A = tpu.memref_slice %arg6[%mul3A_115] : memref<10000xf32, #tpu.memory_space<vmem_shared>> -> memref<80xf32, #tpu.memory_space<vmem_shared>>
        %dma_wait3A_117 = tpu.memref_slice %arg6[%mul3A_115] : memref<10000xf32, #tpu.memory_space<vmem_shared>> -> memref<80xf32, #tpu.memory_space<vmem_shared>>
        tpu.wait_dma2 semaphore(%run_scoped3A : memref<!tpu.dma_semaphore, #tpu.memory_space<semaphore_mem>>) src(%arg5 : memref<80xf32, #tpu.memory_space<vmem>>) dst(%dma_wait3A_117 : memref<80xf32, #tpu.memory_space<vmem_shared>>)
        tpu.yield
      }) : () -> ()
    } else {
    }
    %barrier3A = arith.constant 0 : index
    tpu.barrier barrier_id(%barrier3A)
    %broadcast_in_dim3A_72 = arith.constant 1.000000e+00 : f32
    %broadcast_in_dim3A_73 = vector.broadcast %broadcast_in_dim3A_72 : f32 to vector<16xf32>
    %swap3A_74 = arith.constant 0 : index
    %swap3A_75 = tpu.vector_load %arg5[%swap3A_74] {strides = array<i32>} : memref<80xf32, #tpu.memory_space<vmem>>, vector<16xf32>,
    %swap3A_76 = vector.shape_cast %swap3A_75 : vector<16xf32> to vector<16xf32>
    %swap3A_77 = vector.shape_cast %broadcast_in_dim3A_73 : vector<16xf32> to vector<16xf32>
    tpu.vector_store %arg5[%swap3A_74], %swap3A_77 {strides = array<i32>} : memref<80xf32, #tpu.memory_space<vmem>>, vector<16xf32>,
    %swap3A_78 = arith.constant 16 : index
    %swap3A_79 = tpu.vector_load %arg5[%swap3A_78] {strides = array<i32>} : memref<80xf32, #tpu.memory_space<vmem>>, vector<16xf32>,
    %swap3A_80 = vector.shape_cast %swap3A_79 : vector<16xf32> to vector<16xf32>
    %swap3A_81 = vector.shape_cast %broadcast_in_dim3A_73 : vector<16xf32> to vector<16xf32>
    tpu.vector_store %arg5[%swap3A_78], %swap3A_81 {strides = array<i32>} : memref<80xf32, #tpu.memory_space<vmem>>, vector<16xf32>,
    %swap3A_82 = arith.constant 32 : index
    %swap3A_83 = tpu.vector_load %arg5[%swap3A_82] {strides = array<i32>} : memref<80xf32, #tpu.memory_space<vmem>>, vector<16xf32>,
    %swap3A_84 = vector.shape_cast %swap3A_83 : vector<16xf32> to vector<16xf32>
    %swap3A_85 = vector.shape_cast %broadcast_in_dim3A_73 : vector<16xf32> to vector<16xf32>
    tpu.vector_store %arg5[%swap3A_82], %swap3A_85 {strides = array<i32>} : memref<80xf32, #tpu.memory_space<vmem>>, vector<16xf32>,
    %swap3A_86 = arith.constant 48 : index
    %swap3A_87 = tpu.vector_load %arg5[%swap3A_86] {strides = array<i32>} : memref<80xf32, #tpu.memory_space<vmem>>, vector<16xf32>,
    %swap3A_88 = vector.shape_cast %swap3A_87 : vector<16xf32> to vector<16xf32>
    %swap3A_89 = vector.shape_cast %broadcast_in_dim3A_73 : vector<16xf32> to vector<16xf32>
    tpu.vector_store %arg5[%swap3A_86], %swap3A_89 {strides = array<i32>} : memref<80xf32, #tpu.memory_space<vmem>>, vector<16xf32>,
    %swap3A_90 = arith.constant 64 : index
    %swap3A_91 = tpu.vector_load %arg5[%swap3A_90] {strides = array<i32>} : memref<80xf32, #tpu.memory_space<vmem>>, vector<16xf32>,
    %swap3A_92 = vector.shape_cast %swap3A_91 : vector<16xf32> to vector<16xf32>
    %swap3A_93 = vector.shape_cast %broadcast_in_dim3A_73 : vector<16xf32> to vector<16xf32>
    tpu.vector_store %arg5[%swap3A_90], %swap3A_93 {strides = array<i32>} : memref<80xf32, #tpu.memory_space<vmem>>, vector<16xf32>,
    %mul3A = arith.constant 16 : i32
    %mul3A_94 = arith.muli %arg0, %mul3A : i32
    %add3A_95 = arith.addi %mul3A_94, %arg1 : i32
    %mul3A_96 = arith.constant 250 : i32
    %mul3A_97 = arith.muli %add3A_95, %mul3A_96 : i32
    "tpu.region"() ({
      %run_scoped3A = tpu.sem_alloc : memref<!tpu.dma_semaphore, #tpu.memory_space<semaphore_mem>>
      %dma_start3A = arith.constant 0 : i32
      %dma_start3A_114 = arith.constant 0 : i32
      %dma_start3A_115 = tpu.memref_slice %arg2[%mul3A_97, %dma_start3A, %dma_start3A_114] : memref<8000x1x80xi32, #tpu.memory_space<hbm>> -> memref<250x1x80xi32, #tpu.memory_space<hbm>>
      %dma_start3A_116 = arith.constant 0 : i32
      %dma_start3A_117 = arith.constant 0 : i32
      %dma_start3A_118 = tpu.memref_slice %arg2[%mul3A_97, %dma_start3A_116, %dma_start3A_117] : memref<8000x1x80xi32, #tpu.memory_space<hbm>> -> memref<250x1x80xi32, #tpu.memory_space<hbm>>
      tpu.enqueue_dma source(%dma_start3A_118 : memref<250x1x80xi32, #tpu.memory_space<hbm>>) target(%arg4 : memref<250x1x80xi32, #tpu.memory_space<vmem>>) target_semaphore(%run_scoped3A : memref<!tpu.dma_semaphore, #tpu.memory_space<semaphore_mem>>)
      %dma_wait3A = arith.constant 0 : i32
      %dma_wait3A_119 = arith.constant 0 : i32
      %dma_wait3A_120 = tpu.memref_slice %arg2[%mul3A_97, %dma_wait3A, %dma_wait3A_119] : memref<8000x1x80xi32, #tpu.memory_space<hbm>> -> memref<250x1x80xi32, #tpu.memory_space<hbm>>
      %dma_wait3A_121 = arith.constant 0 : i32
      %dma_wait3A_122 = arith.constant 0 : i32
      %dma_wait3A_123 = tpu.memref_slice %arg2[%mul3A_97, %dma_wait3A_121, %dma_wait3A_122] : memref<8000x1x80xi32, #tpu.memory_space<hbm>> -> memref<250x1x80xi32, #tpu.memory_space<hbm>>
      tpu.wait_dma2 semaphore(%run_scoped3A : memref<!tpu.dma_semaphore, #tpu.memory_space<semaphore_mem>>) src(%dma_wait3A_123 : memref<250x1x80xi32, #tpu.memory_space<hbm>>) dst(%arg4 : memref<250x1x80xi32, #tpu.memory_space<vmem>>)
      tpu.yield
    }) : () -> ()
    %scan3A = arith.constant 0 : i32
    %scan3A_98 = arith.constant 0 : i32
    %scan3A_99 = arith.constant 250 : i32
    %scan3A_100 = arith.addi %scan3A_98, %scan3A_99 : i32
    %scan3A_101 = arith.constant 1 : i32
    scf.for %scan3A_114 = %scan3A_98 to %scan3A_100 step %scan3A_101  : i32 {
      %dma_start3A = arith.constant 0 : i32
      %dma_start3A_115 = arith.constant 0 : i32
      %dma_start3A_116 = tpu.memref_slice %arg4[%scan3A_114, %dma_start3A, %dma_start3A_115] : memref<250x1x80xi32, #tpu.memory_space<vmem>> -> memref<1x1x80xi32, #tpu.memory_space<vmem>>
      %dma_start3A_117 = tpu.memref_squeeze %dma_start3A_116 : memref<1x1x80xi32, #tpu.memory_space<vmem>> -> memref<80xi32, #tpu.memory_space<vmem>>
      %dma_start3A_118 = arith.constant 0 : i32
      %dma_start3A_119 = tpu.memref_slice %arg6[%dma_start3A_118] : memref<10000xf32, #tpu.memory_space<vmem_shared>> -> memref<10000xf32, #tpu.memory_space<vmem_shared>>
      tpu.enqueue_indirect_dma source(%arg5 : memref<80xf32, #tpu.memory_space<vmem>>) target(%dma_start3A_119 : memref<10000xf32, #tpu.memory_space<vmem_shared>>) offsets(%dma_start3A_117 : memref<80xi32, #tpu.memory_space<vmem>>) semaphore(%arg7 : memref<!tpu.dma_semaphore, #tpu.memory_space<semaphore_mem>>) {add = true}
    }
    %scan3A_102 = arith.constant 250 : i32
    %scan3A_103 = arith.constant 0 : i32
    %scan3A_104 = arith.constant 0 : i32
    %scan3A_105 = arith.constant 250 : i32
    %scan3A_106 = arith.addi %scan3A_104, %scan3A_105 : i32
    %scan3A_107 = arith.constant 1 : i32
    scf.for %scan3A_114 = %scan3A_104 to %scan3A_106 step %scan3A_107  : i32 {
      %dma_wait3A = arith.constant 0 : i32
      %dma_wait3A_115 = arith.constant 0 : i32
      %dma_wait3A_116 = tpu.memref_slice %arg4[%scan3A_114, %dma_wait3A, %dma_wait3A_115] : memref<250x1x80xi32, #tpu.memory_space<vmem>> -> memref<1x1x80xi32, #tpu.memory_space<vmem>>
      %dma_wait3A_117 = tpu.memref_squeeze %dma_wait3A_116 : memref<1x1x80xi32, #tpu.memory_space<vmem>> -> memref<80xi32, #tpu.memory_space<vmem>>
      %dma_wait3A_118 = arith.constant 0 : i32
      %dma_wait3A_119 = tpu.memref_slice %arg6[%dma_wait3A_118] : memref<10000xf32, #tpu.memory_space<vmem_shared>> -> memref<10000xf32, #tpu.memory_space<vmem_shared>>
      tpu.wait_indirect_dma semaphore(%arg7 : memref<!tpu.dma_semaphore, #tpu.memory_space<semaphore_mem>>) src(%arg5 : memref<80xf32, #tpu.memory_space<vmem>>) dst(%dma_wait3A_119 : memref<10000xf32, #tpu.memory_space<vmem_shared>>)
    }
    %scan3A_108 = arith.constant 250 : i32
    %barrier3A_109 = arith.constant 0 : index
    tpu.barrier barrier_id(%barrier3A_109)
    %eq3A = arith.constant 0 : i32
    %eq3A_110 = arith.cmpi eq, %arg1, %eq3A : i32
    %convert_element_type3A_111 = arith.extui %eq3A_110 : i1 to i32
    %cond3A_112 = arith.constant 0 : i32
    %cond3A_113 = arith.cmpi ne, %convert_element_type3A_111, %cond3A_112 : i32
    scf.if %cond3A_113 {
      "tpu.region"() ({
        %run_scoped3A = tpu.sem_alloc : memref<!tpu.dma_semaphore, #tpu.memory_space<semaphore_mem>>
        %dma_start3A = arith.constant 0 : i32
        %dma_start3A_114 = tpu.memref_slice %arg3[%arg0, %dma_start3A] : memref<2x10000xf32, #tpu.memory_space<hbm>> -> memref<1x10000xf32, #tpu.memory_space<hbm>>
        %dma_start3A_115 = tpu.memref_squeeze %dma_start3A_114 : memref<1x10000xf32, #tpu.memory_space<hbm>> -> memref<10000xf32, #tpu.memory_space<hbm>>
        tpu.enqueue_dma source(%arg6 : memref<10000xf32, #tpu.memory_space<vmem_shared>>) target(%dma_start3A_115 : memref<10000xf32, #tpu.memory_space<hbm>>) target_semaphore(%run_scoped3A : memref<!tpu.dma_semaphore, #tpu.memory_space<semaphore_mem>>)
        %dma_wait3A = arith.constant 0 : i32
        %dma_wait3A_116 = tpu.memref_slice %arg3[%arg0, %dma_wait3A] : memref<2x10000xf32, #tpu.memory_space<hbm>> -> memref<1x10000xf32, #tpu.memory_space<hbm>>
        %dma_wait3A_117 = tpu.memref_squeeze %dma_wait3A_116 : memref<1x10000xf32, #tpu.memory_space<hbm>> -> memref<10000xf32, #tpu.memory_space<hbm>>
        tpu.wait_dma2 semaphore(%run_scoped3A : memref<!tpu.dma_semaphore, #tpu.memory_space<semaphore_mem>>) src(%arg6 : memref<10000xf32, #tpu.memory_space<vmem_shared>>) dst(%dma_wait3A_117 : memref<10000xf32, #tpu.memory_space<hbm>>)
        tpu.yield
      }) : () -> ()
    } else {
    }
    return
  }
}

module attributes {stable_mosaic.version = 14 : i64} {
  func.func @_scale_body(%arg0: memref<10000x2xf32, #tpu.memory_space<vmem>>, %arg1: memref<10000x128xf32, #tpu.memory_space<vmem>>, %arg2: memref<10000x128xf32, #tpu.memory_space<vmem>>) attributes {dimension_semantics = [], scalar_prefetch = 0 : i64, scratch_operands = 0 : i64, tpu.core_type = #tpu.core_type<tc>} {
    %get3A = arith.constant 0 : index
    %get3A_0 = arith.constant 0 : index
    %get3A_1 = vector.load %arg0[%get3A, %get3A_0] : memref<10000x2xf32, #tpu.memory_space<vmem>>, vector<10000x1xf32>
    %get3A_2 = arith.constant 0 : index
    %get3A_3 = arith.constant 1 : index
    %get3A_4 = vector.load %arg0[%get3A_2, %get3A_3] : memref<10000x2xf32, #tpu.memory_space<vmem>>, vector<10000x1xf32>
    %add3A = arith.addf %get3A_1, %get3A_4 : vector<10000x1xf32>
    %max3A = arith.constant 1.000000e+00 : f32
    %max3A_5 = vector.broadcast %max3A : f32 to vector<10000x1xf32>
    %max3A_6 = arith.maximumf %add3A, %max3A_5 : vector<10000x1xf32>
    %rsqrt3A = math.rsqrt %max3A_6 : vector<10000x1xf32>
    %get3A_7 = arith.constant 0 : index
    %get3A_8 = arith.constant 0 : index
    %get3A_9 = vector.load %arg1[%get3A_7, %get3A_8] : memref<10000x128xf32, #tpu.memory_space<vmem>>, vector<10000x128xf32>
    %mul3A = vector.broadcast %rsqrt3A : vector<10000x1xf32> to vector<10000x128xf32>
    %mul3A_10 = arith.mulf %mul3A, %get3A_9 : vector<10000x128xf32>
    %swap3A = arith.constant 0 : index
    %swap3A_11 = arith.constant 0 : index
    %swap3A_12 = vector.load %arg2[%swap3A, %swap3A_11] : memref<10000x128xf32, #tpu.memory_space<vmem>>, vector<10000x128xf32>
    tpu.vector_store %arg2[%swap3A, %swap3A_11], %mul3A_10 {strides = array<i32>} : memref<10000x128xf32, #tpu.memory_space<vmem>>, vector<10000x128xf32>,
    return
  }
}

module attributes {stable_mosaic.version = 14 : i64} {
  func.func @_final_body(%arg0: memref<10000x2xf32, #tpu.memory_space<vmem>>, %arg1: memref<2x10000x128xf32, #tpu.memory_space<vmem>>, %arg2: memref<10000x128xf32, #tpu.memory_space<vmem>>) attributes {dimension_semantics = [], scalar_prefetch = 0 : i64, scratch_operands = 0 : i64, tpu.core_type = #tpu.core_type<tc>} {
    %get3A = arith.constant 0 : index
    %get3A_0 = arith.constant 0 : index
    %get3A_1 = vector.load %arg0[%get3A, %get3A_0] : memref<10000x2xf32, #tpu.memory_space<vmem>>, vector<10000x1xf32>
    %get3A_2 = arith.constant 0 : index
    %get3A_3 = arith.constant 1 : index
    %get3A_4 = vector.load %arg0[%get3A_2, %get3A_3] : memref<10000x2xf32, #tpu.memory_space<vmem>>, vector<10000x1xf32>
    %add3A = arith.addf %get3A_1, %get3A_4 : vector<10000x1xf32>
    %max3A = arith.constant 1.000000e+00 : f32
    %max3A_5 = vector.broadcast %max3A : f32 to vector<10000x1xf32>
    %max3A_6 = arith.maximumf %add3A, %max3A_5 : vector<10000x1xf32>
    %rsqrt3A = math.rsqrt %max3A_6 : vector<10000x1xf32>
    %get3A_7 = arith.constant 0 : index
    %get3A_8 = arith.constant 0 : index
    %get3A_9 = arith.constant 0 : index
    %get3A_10 = vector.load %arg1[%get3A_7, %get3A_8, %get3A_9] : memref<2x10000x128xf32, #tpu.memory_space<vmem>>, vector<1x10000x128xf32>
    %get3A_11 = vector.shape_cast %get3A_10 : vector<1x10000x128xf32> to vector<10000x128xf32>
    %get3A_12 = arith.constant 1 : index
    %get3A_13 = arith.constant 0 : index
    %get3A_14 = arith.constant 0 : index
    %get3A_15 = vector.load %arg1[%get3A_12, %get3A_13, %get3A_14] : memref<2x10000x128xf32, #tpu.memory_space<vmem>>, vector<1x10000x128xf32>
    %get3A_16 = vector.shape_cast %get3A_15 : vector<1x10000x128xf32> to vector<10000x128xf32>
    %add3A_17 = arith.addf %get3A_11, %get3A_16 : vector<10000x128xf32>
    %mul3A = vector.broadcast %rsqrt3A : vector<10000x1xf32> to vector<10000x128xf32>
    %mul3A_18 = arith.mulf %mul3A, %add3A_17 : vector<10000x128xf32>
    %swap3A = arith.constant 0 : index
    %swap3A_19 = arith.constant 0 : index
    %swap3A_20 = vector.load %arg2[%swap3A, %swap3A_19] : memref<10000x128xf32, #tpu.memory_space<vmem>>, vector<10000x128xf32>
    tpu.vector_store %arg2[%swap3A, %swap3A_19], %mul3A_18 {strides = array<i32>} : memref<10000x128xf32, #tpu.memory_space<vmem>>, vector<10000x128xf32>,
    return
  }
}

</mosaic_0001>

<sc_bundles>
// kernel: kernel.6.cloned.1.call-start
scs
__scs_entry_jumppad:
0x0: {  	(pc) =	sbr.rel $0x88, $3  }
0x1: {  	(tag) =	ssettag $0x0;
	lr =	simm.s32 $0x1  }
0x2: {  	[smem:$0x3F9F] =	sst lr;
	_ =	strace $0xD0000000  }
0x3: {  	_ = 	snop  }
0x4: {  	_ = 	snop  }
0x5: {  	_ = 	snop  }
0x6: {  	_ = 	snop  }
0x7: {  	_ = 	snop  }
__scs_overlays_trampoline_lowered:
0x8: {  	[smem:$0x3FAE] =	sst s0  }
0x9: {  	[smem:$0x3FAF] =	sst s1  }
0xa: {  	[smem:$0x3FB0] =	sst s2  }
0xb: {  	[smem:$0x3FB1] =	sst s3  }
0xc: {  	[smem:$0x3FB2] =	sst s4  }
0xd: {  	[smem:$0x3FB3] =	sst s5  }
0xe: {  	[smem:$0x3FB4] =	sst s6  }
0xf: {  	[smem:$0x3FB5] =	sst s7  }
0x10: {  	[smem:$0x3FB6] =	sst s8  }
0x11: {  	[smem:$0x3FB7] =	sst s9;
	s0 =	simm.s32 @!p0 $0x0  }
0x12: {  	s1 =	sld [smem:$0x3F9D];
	s0 =	simm.s32 @p0 $0x1  }
0x13: {  	[smem:$0x3FB8] =	sst s0;
	s0 =	simm.s32 @!p1 $0x0  }
0x14: {  	s2 =	sld [smem:$0x3F9C];
	s0 =	simm.s32 @p1 $0x1  }
0x15: {  	[smem:$0x3FB9] =	sst s0;
	s0 =	simm.s32 @!p2 $0x0  }
0x16: {  	s3 =	sld [smem:$0x3FDB];
	s0 =	simm.s32 @p2 $0x1  }
0x17: {  	s4 =	simm.s32 $0x1BF5;
	[smem:$0x3FBB] =	sst s0  }
0x18: {  	s0 =	sld [smem:$0x3F9E];
	_ =	swait.ge [sflag:s4], $0x0  }
0x19: {  	s7 =	sld [smem:$0x3F9F]  }
0x1a: {  	s8 =	sadd.s32 $0xFFFFE003, lr  }
0x1b: {  	s9 =	sadd.s32 $0xFFFFFEF7, lr;
	s5 =	simm.s32 $0xFFFFFFFF;
	p2 =	slt.u32 s8, $0xFFFFF086  }
0x1c: {  	p1 =	slt.u32 s9, $0xF7A;
	s5 =	simm.s32 @!p2 $0x0  }
0x1d: {  	s5 =	simm.s32 @p1 $0x1;
	p0 =	seq.s32 s7, s2  }
0x1e: {  	s7 =	smul.u32 @!p0 $0xF7A, s2;
	p2 =	seq.s32 @!p0 s5, $0x0  }
0x1f: {  	s9 =	smul.u32 $0xF7A, s1;
	s8 =	simm.s32 @!p0 $0x1BF5;
	p2 =	por !p2, p0  }
0x20: {  	[sflag:s8] =	ssyncset.s32 @!p0 $0xFFFFF086;
	s6 =	sadd.s32 @!p0 s3, s7;
	s7 =	simm.s32 @!p0 $0x108  }
0x21: {  	s3 =	sadd.s32 s3, s9;
	s6 =	sadd.s32 @!p0 $0x88, s6;
	s7 =	simm.s32 @p2 $0x1082  }
0x22: {  	[simem:s7], [sflag:s8] =	dma.local @!p0 [hbm:s6], $0xF7A  }
0x23: {  	s9 =	sor.u32 $0xD0000000, s2;
	s6 =	simm.s32 $0x108;
	_ =	swait.ge @!p0 [sflag:s8], $0x0  }
0x24: {  	s3 =	sadd.s32 $0x88, s3;
	s6 =	simm.s32 @!p1 $0x1082;
	[sflag:s4] =	ssyncset.s32 $0xFFFFF086  }
0x25: {  	[simem:s6], [sflag:s4] =	dma.local [hbm:s3], $0xF7A  }
0x26: {  	[smem:$0x3F9F] =	sst s1;
	(tag) =	ssettag s2;
	_ =	strace s9  }
0x27: {  	s1 =	sld [smem:$0x3FAF]  }
0x28: {  	s2 =	sld [smem:$0x3FB0]  }
0x29: {  	s4 =	sld [smem:$0x3FB2]  }
0x2a: {  	p0 =	seq.s32 s5, $0x0;
	s5 =	sld [smem:$0x3FB3]  }
0x2b: {  	s6 =	sld [smem:$0x3FB4]  }
0x2c: {  	s7 =	sld [smem:$0x3FB5]  }
0x2d: {  	s3 =	simm.s32 $0x108;
	s8 =	sld [smem:$0x3FB6]  }
0x2e: {  	s3 =	simm.s32 @!p0 $0x1082;
	s9 =	sld [smem:$0x3FB7]  }
0x2f: {  	lr =	sadd.s32 s0, s3;
	s0 =	sld [smem:$0x3FAE]  }
0x30: {  	s3 =	sld [smem:$0x3FB1]  }
0x31: {  	[smem:$0x3FBA] =	sst s10  }
0x32: {  	s10 =	sld [smem:$0x3FB8];
	_ =	sdelay $0x3  }
0x33: {  	p0 =	seq.s32 s10, $0x1;
	s10 =	sld [smem:$0x3FBA];
	_ =	sdelay $0x3  }
0x34: {  	[smem:$0x3FBA] =	sst s10  }
0x35: {  	s10 =	sld [smem:$0x3FB9];
	_ =	sdelay $0x3  }
0x36: {  	p1 =	seq.s32 s10, $0x1;
	s10 =	sld [smem:$0x3FBA];
	_ =	sdelay $0x3  }
0x37: {  	[smem:$0x3FBA] =	sst s10  }
0x38: {  	s10 =	sld [smem:$0x3FBB]  }
0x39: {  	_ = 	snop;
	(pc) =	sbr.ind lr, $3  }
0x3a: {  	_ = 	snop  }
0x3b: {  	_ = 	snop  }
0x3c: {  	p2 =	seq.s32 s10, $0x1;
	s10 =	sld [smem:$0x3FBA]  }
0x3d: {  	_ =	shalt  }
0x3e: {  	_ =	shalt  }
0x3f: {  	_ =	shalt  }
0x40: {  	_ =	shalt  }
0x41: {  	_ =	shalt  }
0x42: {  	_ =	shalt  }
0x43: {  	_ =	shalt  }
0x44: {  	_ =	shalt  }
0x45: {  	_ =	shalt  }
0x46: {  	_ =	shalt  }
0x47: {  	_ =	shalt  }
0x48: {  	_ =	shalt  }
0x49: {  	_ =	shalt  }
0x4a: {  	_ =	shalt  }
0x4b: {  	_ =	shalt  }
0x4c: {  	_ =	shalt  }
0x4d: {  	_ =	shalt  }
0x4e: {  	_ =	shalt  }
0x4f: {  	_ =	shalt  }
0x50: {  	_ =	shalt  }
0x51: {  	_ =	shalt  }
0x52: {  	_ =	shalt  }
0x53: {  	_ =	shalt  }
0x54: {  	_ =	shalt  }
0x55: {  	_ =	shalt  }
0x56: {  	_ =	shalt  }
0x57: {  	_ =	shalt  }
0x58: {  	_ =	shalt  }
0x59: {  	_ =	shalt  }
0x5a: {  	_ =	shalt  }
0x5b: {  	_ =	shalt  }
0x5c: {  	_ =	shalt  }
0x5d: {  	_ =	shalt  }
0x5e: {  	_ =	shalt  }
0x5f: {  	_ =	shalt  }
0x60: {  	_ =	shalt  }
0x61: {  	_ =	shalt  }
0x62: {  	_ =	shalt  }
0x63: {  	_ =	shalt  }
0x64: {  	_ =	shalt  }
0x65: {  	_ =	shalt  }
0x66: {  	_ =	shalt  }
0x67: {  	_ =	shalt  }
0x68: {  	_ =	shalt  }
0x69: {  	_ =	shalt  }
0x6a: {  	_ =	shalt  }
0x6b: {  	_ =	shalt  }
0x6c: {  	_ =	shalt  }
0x6d: {  	_ =	shalt  }
0x6e: {  	_ =	shalt  }
0x6f: {  	_ =	shalt  }
0x70: {  	_ =	shalt  }
0x71: {  	_ =	shalt  }
0x72: {  	_ =	shalt  }
0x73: {  	_ =	shalt  }
0x74: {  	_ =	shalt  }
0x75: {  	_ =	shalt  }
0x76: {  	_ =	shalt  }
0x77: {  	_ =	shalt  }
0x78: {  	_ =	shalt  }
0x79: {  	_ =	shalt  }
0x7a: {  	_ =	shalt  }
0x7b: {  	_ =	shalt  }
0x7c: {  	_ =	shalt  }
0x7d: {  	_ =	shalt  }
0x7e: {  	_ =	shalt  }
0x7f: {  	_ =	shalt  }
0x80: {  	_ =	shalt  }
0x81: {  	_ =	shalt  }
0x82: {  	_ =	shalt  }
0x83: {  	_ =	shalt  }
0x84: {  	_ =	shalt  }
0x85: {  	_ =	shalt  }
0x86: {  	_ =	shalt  }
0x87: {  	_ =	shalt  }
.Lfunc_end0:
.L_simem_size_0:
called_computation_lowered:
.L_overlay_start_0:
0x88: {  	s2 =	sld [smem:$0x3FD9]  }
0x89: {  	s3 =	sld [smem:$0x3FFE];
	_ =	sdelay $0x1  }
0x8a: {  	s1 =	srdreg.scid  }
0x8b: {  	s0 =	sand.u32 $0x1, s1  }
0x8c: {  	s17 =	sshll.u32 s0, $0xA;
	s2 =	sadd.s32 s3, s2  }
0x8d: {  	s2 =	sadd.s32 s2, s17  }
0x8e: {  	[smem:$0x3FC6] =	sst s2  }
0x8f: {  	_ = 	snop  }
0x90: {  	s2 =	sld [smem:$0x3FD0];
	(tm) =	ssettm $0x1  }
0x91: {  	s18 =	sld [smem:$0x3FFB];
	_ =	sdelay $0x3  }
0x92: {  	_ =	strace s18  }
0x93: {  	s3 =	sld [smem:$0x3FFC];
	_ =	sdelay $0x3  }
0x94: {  	_ =	strace s3  }
0x95: {  	s3 =	sld [smem:$0x3FFD];
	_ =	sdelay $0x3  }
0x96: {  	_ =	strace s3  }
0x97: {  	_ =	strace $0x8FFFFFFF  }
0x98: {  	s19 =	sld [smem:$0x3FDB];
	_ =	sdelay $0x1  }
0x99: {  	s4 =	simm.s32 $_scs_section_size  }
0x9a: {  	s5 =	simm.s32 $_size__tile_overlayer_lowered;
	s6 =	simm.s32 $_tile_overlayer_lowered  }
0x9b: {  	s22 =	simm.s32 $0x1BFF;
	s21 =	sshll.u32 s6, $0x1;
	s3 =	sadd.s32 s4, s19  }
0x9c: {  	s7 =	simm.s32 $0x0;
	s20 =	sshll.u32 s5, $0x1;
	s5 =	sadd.s32 s21, s3  }
0x9d: {  	[timem:s7], [sflag:s22] =	dma.local [hbm:s5], s20  }
0x9e: {  	_ =	swait.ge [sflag:s22], s20  }
0x9f: {  	s4 =	ssub.s32 $0x0, s20;
	[sflag:s22] =	ssyncset.done $0x0  }
0xa0: {  	[sflag:s22] =	ssyncadd.s32 s4;
	_ =	sdelay $0x1  }
0xa1: {  	s23 =	simm.s32 $0x1B8B  }
0xa2: {  	_ =	swait.ge [sflag:s23], $0x1  }
0xa3: {  	[sflag:s23] =	ssyncset.done $0x0  }
0xa4: {  	s25 =	simm.s32 $0x1B8E;
	s24 =	sld [smem:$0x3FFE];
	[sflag:s23] =	ssyncadd.s32 $0xFFFFFFFF  }
0xa5: {  	s26 =	simm.s32 $execute0_lowered;
	[smem:$0x3FD2] =	sst s25  }
0xa6: {  	s5 =	sshll.u32 s26, $0x1;
	_ =	strace $0x80000046;
	[dreg:$0x1] =	wrdreg $0xFFFFFFFF  }
0xa7: {  	s28 =	simm.s32 $_size_execute0_lowered;
	s3 =	sadd.s32 s3, s5;
	[dreg:$0x0] =	wrdreg $0x0  }
0xa8: {  	s5 =	sshll.u32 s28, $0x1;
	[dreg:$0x2] =	wrdreg s3  }
0xa9: {  	[dreg:$0x3] =	wrdreg s5  }
0xaa: {  	[dreg:$0x4] =	wrdreg $0xC0  }
0xab: {  	_ =	task [dreg:s7], $0x5FFFF  }
0xac: {  	[dreg:$0x1] =	wrdreg $0xFFFFFFFF  }
0xad: {  	[dreg:$0x0] =	wrdreg $0x60  }
0xae: {  	[dreg:$0x2] =	wrdreg s2  }
0xaf: {  	[dreg:$0x3] =	wrdreg s24  }
0xb0: {  	[dreg:$0x4] =	wrdreg $0x7D800  }
0xb1: {  	[dreg:$0x5] =	wrdreg $0x9  }
0xb2: {  	_ =	task.clear_ibuf [dreg:s7], $0x6FFFF;
	_ =	strace $0x90000046  }
0xb3: {  	s29 =	simm.s32 $0x9;
	_ =	strace $0x80000048  }
0xb4: {  	_ =	swait.ge [sflag:s29], $0x1  }
0xb5: {  	[sflag:s29] =	ssyncadd.s32 $0xFFFFFFFF  }
0xb6: {  	_ =	strace $0x90000048  }
0xb7: {  	_ =	sfence  }
0xb8: {  	s30 =	sld [smem:$0x0];
	_ =	sdelay $0x2  }
0xb9: {  	s31 =	sshll.u32 s1, $0xD;
	s1 =	sshrl.u32 s1, $0x2  }
0xba: {  	s3 =	sand.u32 $0x4000, s31;
	s1 =	sadd.s32 s1, s30  }
0xbb: {  	s0 =	sor.u32 s3, s0;
	s1 =	sshll.u32 s1, $0x11  }
0xbc: {  	s0 =	sor.u32 s1, s0  }
0xbd: {  	s0 =	sadd.s32 $0x8F2B, s0  }
0xbe: {  	[sflag:s0] =	ssyncadd.remote.s32 $0x1  }
0xbf: {  	_ =	sfence.sel $0xFFFF  }
0xc0: {  	[dreg:$0x0] =	wrdreg $0xFFFFFFFF;
	(pc) =	sbr.abs _section_cstart, $3  }
0xc1: {  	[dreg:$0x1] =	wrdreg $0xFFFFFFFF  }
0xc2: {  	_ =	task.clear_ibuf [dreg:s7], $0x2FFFF;
	_ =	strace $0x9FFFFFFF  }
0xc3: {  	(tm) =	ssettm $0x7FFFFFFF  }
tec
execute0_lowered:
.L_overlay_start_1:
0x0: {  	(tag) =	ssettag $0x1  }
0x1: {  	s11 =	rddreg [dreg:$0x0]  }
0x2: {  	s3 =	rddreg [dreg:$0x1]  }
0x3: {  	s1 =	rddreg [dreg:$0x2]  }
0x4: {  	s0 =	rddreg [dreg:$0x3];
	s2 =	simm.s32 $0x0  }
0x5: {  	s17 =	stileid.u32;
	s4 =	srdreg.scid;
	s15 =	simm.s32 $0x2  }
0x6: {  	s16 =	simm.s32 $0x50;
	s19 =	simm.s32 $0x0;
	[smem:$0x7FF] =	sst s2  }
0x7: {  	s5 =	smul.u32 $0x140, s17;
	s4 =	sand.u32 $0x1, s4;
	p1 =	sgt.u32 s17, $0xC  }
0x8: {  	p0 =	sne.s32 s17, $0x0;
	_ =	strace $0x80000047;
	s6 =	sshll.u32 s4, $0x4  }
0x9: {  	s4 =	ssub.s32 $0x2, s4;
	s18 =	sshrl.u32 @!p0 s1, $0x3;
	s5 =	sshrl.u32 s5, $0x2  }
0xa: {  	s12 =	sadd.s32 s6, s3;
	s7 =	sshrl.u32 s4, $0x1;
	s31 =	sor.u32 s17, s6  }
0xb: {  	s17 =	simm.s32 $0x1;
	s3 =	sadd.s32 s5, s1;
	s13 =	ssub.s32 s4, s7  }
0xc: {  	s14 =	smul.u32 $0xFA0, s31;
	s12 =	sadd.s32 $0x1000, s12;
	s4 =	sadd.s32 $0x500, s3  }
0xd: {  	s5 =	sadd.s32 $0xA00, s3;
	s6 =	sadd.s32 $0xF00, s3;
	s7 =	sadd.s32 $0x1400, s3  }
0xe: {  	s8 =	sadd.s32 $0x1900, s3;
	s9 =	sadd.s32 $0x1E00, s3;
	s10 =	sadd.s32 $0x2300, s3  }
0xf: {  	v0 =	vimm.f32 $0.0e+00;
	v1 =	vimm.f32 $1.000000000e+00;
	s13 =	smax.u32 s13, $0x1;
	s11 =	sadd.s32 s11, s14;
	s14 =	simm.s32 $0x7D00  }
.LBB2_1:
0x10: {  	[tilespmem:$0x7D00] =	vst v0  }
0x11: {  	[tilespmem:$0x7D10] =	vst v0  }
0x12: {  	[tilespmem:$0x7D20] =	vst v0  }
0x13: {  	[tilespmem:$0x7D30] =	vst v0  }
0x14: {  	[tilespmem:$0x7D40] =	vst v0  }
0x15: {  	[spmem:s3] =	stream.linear.scatter [tilespmem:s14], [sflag:$0x2], $0x50, $0x38;
	[tilespmem:$0x7FF8] =	vst v63  }
0x16: {  	_ =	swait.ge [sflag:s15], $0x50  }
0x17: {  	[sflag:s15] =	ssyncset.done $0x0  }
0x18: {  	[sflag:s15] =	ssyncadd.s32 $0xFFFFFFB0  }
0x19: {  	[spmem:s4] =	stream.linear.scatter [tilespmem:s14], [sflag:$0x2], $0x50, $0x38;
	[tilespmem:$0x7FF8] =	vst v63  }
0x1a: {  	_ =	swait.ge [sflag:s15], $0x50  }
0x1b: {  	[sflag:s15] =	ssyncset.done $0x0  }
0x1c: {  	[sflag:s15] =	ssyncadd.s32 $0xFFFFFFB0  }
0x1d: {  	[spmem:s5] =	stream.linear.scatter [tilespmem:s14], [sflag:$0x2], $0x50, $0x38;
	[tilespmem:$0x7FF8] =	vst v63  }
0x1e: {  	_ =	swait.ge [sflag:s15], $0x50  }
0x1f: {  	[sflag:s15] =	ssyncset.done $0x0  }
0x20: {  	[sflag:s15] =	ssyncadd.s32 $0xFFFFFFB0  }
0x21: {  	[spmem:s6] =	stream.linear.scatter [tilespmem:s14], [sflag:$0x2], $0x50, $0x38;
	[tilespmem:$0x7FF8] =	vst v63  }
0x22: {  	_ =	swait.ge [sflag:s15], $0x50  }
0x23: {  	[sflag:s15] =	ssyncset.done $0x0  }
0x24: {  	[sflag:s15] =	ssyncadd.s32 $0xFFFFFFB0  }
0x25: {  	[spmem:s7] =	stream.linear.scatter [tilespmem:s14], [sflag:$0x2], $0x50, $0x38;
	[tilespmem:$0x7FF8] =	vst v63  }
0x26: {  	_ =	swait.ge [sflag:s15], $0x50  }
0x27: {  	[sflag:s15] =	ssyncset.done $0x0  }
0x28: {  	[sflag:s15] =	ssyncadd.s32 $0xFFFFFFB0  }
0x29: {  	[spmem:s8] =	stream.linear.scatter [tilespmem:s14], [sflag:$0x2], $0x50, $0x38;
	[tilespmem:$0x7FF8] =	vst v63  }
0x2a: {  	_ =	swait.ge [sflag:s15], $0x50  }
0x2b: {  	[sflag:s15] =	ssyncset.done $0x0  }
0x2c: {  	[sflag:s15] =	ssyncadd.s32 $0xFFFFFFB0  }
0x2d: {  	[spmem:s9] =	stream.linear.scatter [tilespmem:s14], [sflag:$0x2], $0x50, $0x38;
	[tilespmem:$0x7FF8] =	vst v63  }
0x2e: {  	_ =	swait.ge [sflag:s15], $0x50  }
0x2f: {  	[sflag:s15] =	ssyncset.done $0x0  }
0x30: {  	s20 =	simm.s32 @!p1 $0x7D00;
	[sflag:s15] =	ssyncadd.s32 $0xFFFFFFB0  }
0x31: {  	[spmem:s10] =	stream.linear.scatter @!p1 [tilespmem:s20], [sflag:$0x2], $0x50, $0x38;
	[tilespmem:$0x7FF8] =	vst v63  }
0x32: {  	s20 =	simm.s32 @!p1 $0x2  }
0x33: {  	_ =	swait.ge @!p1 [sflag:s20], $0x50  }
0x34: {  	[sflag:s20] =	ssyncset.done @!p1 $0x0  }
0x35: {  	[sflag:s20] =	ssyncadd.s32 @!p1 $0xFFFFFFB0  }
0x36: {  	[bflag:$0x0] =	sbarrier.arrive $0xFFFF  }
0x37: {  	[tilespmem:$0x7D00] =	vst v1  }
0x38: {  	[tilespmem:$0x7D10] =	vst v1  }
0x39: {  	[tilespmem:$0x7D20] =	vst v1  }
0x3a: {  	[tilespmem:$0x7D30] =	vst v1  }
0x3b: {  	[tilespmem:$0x7D40] =	vst v1  }
0x3c: {  	[tilespmem:s2], [sflag:$0x2] =	stream.linear.gather [hbm4b:s11+s2], $0x7D00, $0x38;
	[tilespmem:$0x7FF8] =	vst v63  }
0x3d: {  	_ =	swait.ge [sflag:s15], $0x7D00  }
0x3e: {  	[sflag:s15] =	ssyncset.done $0x0  }
0x3f: {  	s20 =	simm.s32 $0x0;
	[sflag:s15] =	ssyncadd.s32 $0xFFFF8300  }
.LBB2_2:
0x40: {  	p2 =	sne.s32 s20, $0x1F200  }
.Ltmp0:
0x41: {  	_ = 	snop;
	(pc) =	sbr.rel @p2 .LBB2_2-.Ltmp0, $3  }
0x42: {  	_ =	sdelay $0x1  }
0x43: {  	s21 =	sshra.s32 s20, $0x2;
	s20 =	sadd.s32 $0x200, s20  }
0x44: {  	[spmem:s1] =	stream.indirect.scatter.add.f32 [tilespmem:s14], [sflag:$0x1], $0x1, s21, s16, $0xb8;
	[tilespmem:$0x7FF8] =	vst v63  }
0x45: {  	_ =	swait.ge [sflag:s17], $0x50  }
0x46: {  	s20 =	simm.s32 $0xF9;
	[sflag:s17] =	ssyncset.done $0x0  }
.LBB2_4:
0x47: {  	p2 =	sne.s32 s20, $0x1;
	s20 =	sadd.s32 $0xFFFFFFFF, s20;
	[sflag:s17] =	ssyncadd.s32 $0xFFFFFFB0  }
.Ltmp1:
0x48: {  	(pc) =	sbr.rel @p2 .LBB2_4-.Ltmp1, $3  }
0x49: {  	_ =	sdelay $0x1  }
0x4a: {  	_ =	swait.ge [sflag:s17], $0x50  }
0x4b: {  	[sflag:s17] =	ssyncset.done $0x0  }
0x4c: {  	[sflag:s17] =	ssyncadd.s32 $0xFFFFFFB0;
	s20 =	simm.s32 @!p0 $0x1  }
0x4d: {  	s21 =	simm.s32 @!p0 $0x20;
	s22 =	simm.s32 @!p0 $0x10;
	s19 =	sadd.s32 $0x1, s19  }
0x4e: {  	s23 =	simm.s32 @!p0 $0x1C02;
	[bflag:$0x0] =	sbarrier.arrive $0xFFFF;
	p2 =	sne.s32 s19, s13  }
0x4f: {  	[hbm:s12@s21], [sflag:s23] =	dma.strided @!p0 [spmem:s18@s22], $0x4F0, s20, $0x10   }
.Ltmp2:
0x50: {  	_ = 	snop;
	(pc) =	sbr.rel @p2 .LBB2_1-.Ltmp2, $4  }
0x51: {  	s20 =	simm.s32 @!p0 $0x2  }
0x52: {  	_ =	swait.ge @!p0 [sflag:s20], $0x4F0  }
0x53: {  	[sflag:s20] =	ssyncset.done @!p0 $0x0  }
0x54: {  	[sflag:s20] =	ssyncadd.s32 @!p0 $0xFFFFFB10  }
0x55: {  	_ =	sfence.sel $0x180000  }
0x56: {  	[bflag:$0x0] =	sbarrier.arrive $0xFFFF  }
0x57: {  	_ =	strace $0x90000047  }
0x58: {  	s0 =	sadd.s32 @!p0 $0x100000, s0;
	[bflag:$0x2] =	sbarrier.arrive $0xFFFF  }
0x59: {  	[sflag:s0] =	ssyncadd.tile.s32 @!p0 $0x1;
	_ =	shalt  }
.Lfunc_end2:
_tile_overlayer_lowered:
.L_overlay_start_2:
0x5a: {  	(tag) =	ssettag $0x2  }
0x5b: {  	s0 =	rddreg [dreg:$0x0];
	s2 =	stileid.u32  }
0x5c: {  	s1 =	rddreg [dreg:$0x1];
	p0 =	sne.s32 s2, $0x0  }
0x5d: {  	s3 =	rddreg [dreg:$0x2];
	[bflag:$0x3] =	sbarrier.arrive $0xFFFF;
	s2 =	simm.s32 @!p0 $0x1C02  }
0x5e: {  	[timem:s3], [sflag:s2] =	dma.local @!p0 [hbm:s0], s1  }
0x5f: {  	s0 =	simm.s32 @!p0 $0x2  }
0x60: {  	_ =	swait.ge @!p0 [sflag:s0], s1  }
0x61: {  	s1 =	ssub.s32 @!p0 $0x0, s1;
	[sflag:s0] =	ssyncset.done @!p0 $0x0  }
0x62: {  	[sflag:s0] =	ssyncadd.s32 @!p0 s1  }
0x63: {  	[bflag:$0x3] =	sbarrier.arrive $0xFFFF  }
0x64: {  	_ =	shalt  }

// kernel: kernel.9.cloned.1.call-start
scs
__scs_entry_jumppad:
0x0: {  	(pc) =	sbr.rel $0x88, $3  }
0x1: {  	(tag) =	ssettag $0x0;
	lr =	simm.s32 $0x1  }
0x2: {  	[smem:$0x3F9F] =	sst lr;
	_ =	strace $0xD0000000  }
0x3: {  	_ = 	snop  }
0x4: {  	_ = 	snop  }
0x5: {  	_ = 	snop  }
0x6: {  	_ = 	snop  }
0x7: {  	_ = 	snop  }
__scs_overlays_trampoline_lowered:
0x8: {  	[smem:$0x3FAE] =	sst s0  }
0x9: {  	[smem:$0x3FAF] =	sst s1  }
0xa: {  	[smem:$0x3FB0] =	sst s2  }
0xb: {  	[smem:$0x3FB1] =	sst s3  }
0xc: {  	[smem:$0x3FB2] =	sst s4  }
0xd: {  	[smem:$0x3FB3] =	sst s5  }
0xe: {  	[smem:$0x3FB4] =	sst s6  }
0xf: {  	[smem:$0x3FB5] =	sst s7  }
0x10: {  	[smem:$0x3FB6] =	sst s8  }
0x11: {  	[smem:$0x3FB7] =	sst s9;
	s0 =	simm.s32 @!p0 $0x0  }
0x12: {  	s1 =	sld [smem:$0x3F9D];
	s0 =	simm.s32 @p0 $0x1  }
0x13: {  	[smem:$0x3FB8] =	sst s0;
	s0 =	simm.s32 @!p1 $0x0  }
0x14: {  	s2 =	sld [smem:$0x3F9C];
	s0 =	simm.s32 @p1 $0x1  }
0x15: {  	[smem:$0x3FB9] =	sst s0;
	s0 =	simm.s32 @!p2 $0x0  }
0x16: {  	s3 =	sld [smem:$0x3FDB];
	s0 =	simm.s32 @p2 $0x1  }
0x17: {  	s4 =	simm.s32 $0x1BF5;
	[smem:$0x3FBB] =	sst s0  }
0x18: {  	s0 =	sld [smem:$0x3F9E];
	_ =	swait.ge [sflag:s4], $0x0  }
0x19: {  	s7 =	sld [smem:$0x3F9F]  }
0x1a: {  	s8 =	sadd.s32 $0xFFFFE003, lr  }
0x1b: {  	s9 =	sadd.s32 $0xFFFFFEF7, lr;
	s5 =	simm.s32 $0xFFFFFFFF;
	p2 =	slt.u32 s8, $0xFFFFF086  }
0x1c: {  	p1 =	slt.u32 s9, $0xF7A;
	s5 =	simm.s32 @!p2 $0x0  }
0x1d: {  	s5 =	simm.s32 @p1 $0x1;
	p0 =	seq.s32 s7, s2  }
0x1e: {  	s7 =	smul.u32 @!p0 $0xF7A, s2;
	p2 =	seq.s32 @!p0 s5, $0x0  }
0x1f: {  	s9 =	smul.u32 $0xF7A, s1;
	s8 =	simm.s32 @!p0 $0x1BF5;
	p2 =	por !p2, p0  }
0x20: {  	[sflag:s8] =	ssyncset.s32 @!p0 $0xFFFFF086;
	s6 =	sadd.s32 @!p0 s3, s7;
	s7 =	simm.s32 @!p0 $0x108  }
0x21: {  	s3 =	sadd.s32 s3, s9;
	s6 =	sadd.s32 @!p0 $0x88, s6;
	s7 =	simm.s32 @p2 $0x1082  }
0x22: {  	[simem:s7], [sflag:s8] =	dma.local @!p0 [hbm:s6], $0xF7A  }
0x23: {  	s9 =	sor.u32 $0xD0000000, s2;
	s6 =	simm.s32 $0x108;
	_ =	swait.ge @!p0 [sflag:s8], $0x0  }
0x24: {  	s3 =	sadd.s32 $0x88, s3;
	s6 =	simm.s32 @!p1 $0x1082;
	[sflag:s4] =	ssyncset.s32 $0xFFFFF086  }
0x25: {  	[simem:s6], [sflag:s4] =	dma.local [hbm:s3], $0xF7A  }
0x26: {  	[smem:$0x3F9F] =	sst s1;
	(tag) =	ssettag s2;
	_ =	strace s9  }
0x27: {  	s1 =	sld [smem:$0x3FAF]  }
0x28: {  	s2 =	sld [smem:$0x3FB0]  }
0x29: {  	s4 =	sld [smem:$0x3FB2]  }
0x2a: {  	p0 =	seq.s32 s5, $0x0;
	s5 =	sld [smem:$0x3FB3]  }
0x2b: {  	s6 =	sld [smem:$0x3FB4]  }
0x2c: {  	s7 =	sld [smem:$0x3FB5]  }
0x2d: {  	s3 =	simm.s32 $0x108;
	s8 =	sld [smem:$0x3FB6]  }
0x2e: {  	s3 =	simm.s32 @!p0 $0x1082;
	s9 =	sld [smem:$0x3FB7]  }
0x2f: {  	lr =	sadd.s32 s0, s3;
	s0 =	sld [smem:$0x3FAE]  }
0x30: {  	s3 =	sld [smem:$0x3FB1]  }
0x31: {  	[smem:$0x3FBA] =	sst s10  }
0x32: {  	s10 =	sld [smem:$0x3FB8];
	_ =	sdelay $0x3  }
0x33: {  	p0 =	seq.s32 s10, $0x1;
	s10 =	sld [smem:$0x3FBA];
	_ =	sdelay $0x3  }
0x34: {  	[smem:$0x3FBA] =	sst s10  }
0x35: {  	s10 =	sld [smem:$0x3FB9];
	_ =	sdelay $0x3  }
0x36: {  	p1 =	seq.s32 s10, $0x1;
	s10 =	sld [smem:$0x3FBA];
	_ =	sdelay $0x3  }
0x37: {  	[smem:$0x3FBA] =	sst s10  }
0x38: {  	s10 =	sld [smem:$0x3FBB]  }
0x39: {  	_ = 	snop;
	(pc) =	sbr.ind lr, $3  }
0x3a: {  	_ = 	snop  }
0x3b: {  	_ = 	snop  }
0x3c: {  	p2 =	seq.s32 s10, $0x1;
	s10 =	sld [smem:$0x3FBA]  }
0x3d: {  	_ =	shalt  }
0x3e: {  	_ =	shalt  }
0x3f: {  	_ =	shalt  }
0x40: {  	_ =	shalt  }
0x41: {  	_ =	shalt  }
0x42: {  	_ =	shalt  }
0x43: {  	_ =	shalt  }
0x44: {  	_ =	shalt  }
0x45: {  	_ =	shalt  }
0x46: {  	_ =	shalt  }
0x47: {  	_ =	shalt  }
0x48: {  	_ =	shalt  }
0x49: {  	_ =	shalt  }
0x4a: {  	_ =	shalt  }
0x4b: {  	_ =	shalt  }
0x4c: {  	_ =	shalt  }
0x4d: {  	_ =	shalt  }
0x4e: {  	_ =	shalt  }
0x4f: {  	_ =	shalt  }
0x50: {  	_ =	shalt  }
0x51: {  	_ =	shalt  }
0x52: {  	_ =	shalt  }
0x53: {  	_ =	shalt  }
0x54: {  	_ =	shalt  }
0x55: {  	_ =	shalt  }
0x56: {  	_ =	shalt  }
0x57: {  	_ =	shalt  }
0x58: {  	_ =	shalt  }
0x59: {  	_ =	shalt  }
0x5a: {  	_ =	shalt  }
0x5b: {  	_ =	shalt  }
0x5c: {  	_ =	shalt  }
0x5d: {  	_ =	shalt  }
0x5e: {  	_ =	shalt  }
0x5f: {  	_ =	shalt  }
0x60: {  	_ =	shalt  }
0x61: {  	_ =	shalt  }
0x62: {  	_ =	shalt  }
0x63: {  	_ =	shalt  }
0x64: {  	_ =	shalt  }
0x65: {  	_ =	shalt  }
0x66: {  	_ =	shalt  }
0x67: {  	_ =	shalt  }
0x68: {  	_ =	shalt  }
0x69: {  	_ =	shalt  }
0x6a: {  	_ =	shalt  }
0x6b: {  	_ =	shalt  }
0x6c: {  	_ =	shalt  }
0x6d: {  	_ =	shalt  }
0x6e: {  	_ =	shalt  }
0x6f: {  	_ =	shalt  }
0x70: {  	_ =	shalt  }
0x71: {  	_ =	shalt  }
0x72: {  	_ =	shalt  }
0x73: {  	_ =	shalt  }
0x74: {  	_ =	shalt  }
0x75: {  	_ =	shalt  }
0x76: {  	_ =	shalt  }
0x77: {  	_ =	shalt  }
0x78: {  	_ =	shalt  }
0x79: {  	_ =	shalt  }
0x7a: {  	_ =	shalt  }
0x7b: {  	_ =	shalt  }
0x7c: {  	_ =	shalt  }
0x7d: {  	_ =	shalt  }
0x7e: {  	_ =	shalt  }
0x7f: {  	_ =	shalt  }
0x80: {  	_ =	shalt  }
0x81: {  	_ =	shalt  }
0x82: {  	_ =	shalt  }
0x83: {  	_ =	shalt  }
0x84: {  	_ =	shalt  }
0x85: {  	_ =	shalt  }
0x86: {  	_ =	shalt  }
0x87: {  	_ =	shalt  }
.Lfunc_end0:
.L_simem_size_0:
called_computation.1_lowered:
.L_overlay_start_0:
0x88: {  	s2 =	sld [smem:$0x3FD9]  }
0x89: {  	s3 =	sld [smem:$0x3FFE];
	_ =	sdelay $0x1  }
0x8a: {  	s1 =	srdreg.scid  }
0x8b: {  	s0 =	sand.u32 $0x1, s1  }
0x8c: {  	s17 =	sshll.u32 s0, $0xA;
	s2 =	sadd.s32 s3, s2  }
0x8d: {  	s2 =	sadd.s32 s2, s17  }
0x8e: {  	[smem:$0x3FC6] =	sst s2  }
0x8f: {  	_ = 	snop  }
0x90: {  	s2 =	sld [smem:$0x3FD0];
	(tm) =	ssettm $0x1  }
0x91: {  	s18 =	sld [smem:$0x3FFB];
	_ =	sdelay $0x3  }
0x92: {  	_ =	strace s18  }
0x93: {  	s3 =	sld [smem:$0x3FFC];
	_ =	sdelay $0x3  }
0x94: {  	_ =	strace s3  }
0x95: {  	s3 =	sld [smem:$0x3FFD];
	_ =	sdelay $0x3  }
0x96: {  	_ =	strace s3  }
0x97: {  	_ =	strace $0x8FFFFFFF  }
0x98: {  	s19 =	sld [smem:$0x3FDB];
	_ =	sdelay $0x1  }
0x99: {  	s4 =	simm.s32 $_scs_section_size  }
0x9a: {  	s5 =	simm.s32 $_size__tile_overlayer_lowered;
	s6 =	simm.s32 $_tile_overlayer_lowered  }
0x9b: {  	s22 =	simm.s32 $0x1BFF;
	s21 =	sshll.u32 s6, $0x1;
	s3 =	sadd.s32 s4, s19  }
0x9c: {  	s7 =	simm.s32 $0x0;
	s20 =	sshll.u32 s5, $0x1;
	s5 =	sadd.s32 s21, s3  }
0x9d: {  	[timem:s7], [sflag:s22] =	dma.local [hbm:s5], s20  }
0x9e: {  	_ =	swait.ge [sflag:s22], s20  }
0x9f: {  	s4 =	ssub.s32 $0x0, s20;
	[sflag:s22] =	ssyncset.done $0x0  }
0xa0: {  	[sflag:s22] =	ssyncadd.s32 s4;
	_ =	sdelay $0x1  }
0xa1: {  	s23 =	simm.s32 $0x1B8B  }
0xa2: {  	_ =	swait.ge [sflag:s23], $0x1  }
0xa3: {  	[sflag:s23] =	ssyncset.done $0x0  }
0xa4: {  	s25 =	simm.s32 $0x1B8E;
	s24 =	sld [smem:$0x3FFE];
	[sflag:s23] =	ssyncadd.s32 $0xFFFFFFFF  }
0xa5: {  	s26 =	simm.s32 $execute0_lowered;
	[smem:$0x3FD2] =	sst s25  }
0xa6: {  	s5 =	sshll.u32 s26, $0x1;
	_ =	strace $0x80000049;
	[dreg:$0x1] =	wrdreg $0xFFFFFFFF  }
0xa7: {  	s28 =	simm.s32 $_size_execute0_lowered;
	s3 =	sadd.s32 s3, s5;
	[dreg:$0x0] =	wrdreg $0x0  }
0xa8: {  	s5 =	sshll.u32 s28, $0x1;
	[dreg:$0x2] =	wrdreg s3  }
0xa9: {  	[dreg:$0x3] =	wrdreg s5  }
0xaa: {  	[dreg:$0x4] =	wrdreg $0xC0  }
0xab: {  	_ =	task [dreg:s7], $0x5FFFF  }
0xac: {  	[dreg:$0x1] =	wrdreg $0xFFFFFFFF  }
0xad: {  	[dreg:$0x0] =	wrdreg $0x60  }
0xae: {  	[dreg:$0x2] =	wrdreg s2  }
0xaf: {  	[dreg:$0x3] =	wrdreg s24  }
0xb0: {  	[dreg:$0x4] =	wrdreg $0x64000  }
0xb1: {  	[dreg:$0x5] =	wrdreg $0x9  }
0xb2: {  	_ =	task.clear_ibuf [dreg:s7], $0x6FFFF;
	_ =	strace $0x90000049  }
0xb3: {  	s29 =	simm.s32 $0x9;
	_ =	strace $0x8000004B  }
0xb4: {  	_ =	swait.ge [sflag:s29], $0x1  }
0xb5: {  	[sflag:s29] =	ssyncadd.s32 $0xFFFFFFFF  }
0xb6: {  	_ =	strace $0x9000004B  }
0xb7: {  	_ =	sfence  }
0xb8: {  	s30 =	sld [smem:$0x0];
	_ =	sdelay $0x2  }
0xb9: {  	s31 =	sshll.u32 s1, $0xD;
	s1 =	sshrl.u32 s1, $0x2  }
0xba: {  	s3 =	sand.u32 $0x4000, s31;
	s1 =	sadd.s32 s1, s30  }
0xbb: {  	s0 =	sor.u32 s3, s0;
	s1 =	sshll.u32 s1, $0x11  }
0xbc: {  	s0 =	sor.u32 s1, s0  }
0xbd: {  	s0 =	sadd.s32 $0x8F2B, s0  }
0xbe: {  	[sflag:s0] =	ssyncadd.remote.s32 $0x1  }
0xbf: {  	_ =	sfence.sel $0xFFFF  }
0xc0: {  	[dreg:$0x0] =	wrdreg $0xFFFFFFFF;
	(pc) =	sbr.abs _section_cstart, $3  }
0xc1: {  	[dreg:$0x1] =	wrdreg $0xFFFFFFFF  }
0xc2: {  	_ =	task.clear_ibuf [dreg:s7], $0x2FFFF;
	_ =	strace $0x9FFFFFFF  }
0xc3: {  	(tm) =	ssettm $0x7FFFFFFF  }
tec
execute0_lowered:
.L_overlay_start_1:
0x0: {  	(tag) =	ssettag $0x1  }
0x1: {  	s0 =	rddreg [dreg:$0x0];
	s1 =	srdreg.scid  }
0x2: {  	s3 =	rddreg [dreg:$0x1];
	s2 =	simm.s32 $0x0;
	s21 =	stileid.u32  }
0x3: {  	s29 =	simm.s32 $0x8;
	s10 =	sor.u32 $0x20, s21;
	s12 =	smul.u32 $0x2800, s21  }
0x4: {  	s30 =	simm.s32 $0x1400;
	s11 =	sor.u32 $0x30, s21;
	s17 =	smul.u32 $0x2800, s10  }
0x5: {  	s4 =	sand.u32 $0x1, s1;
	s13 =	sor.u32 $0x40, s21;
	s18 =	smul.u32 $0x2800, s11  }
0x6: {  	s14 =	sor.u32 $0x50, s21;
	s1 =	sshll.u32 s4, $0x4;
	s25 =	smul.u32 $0x2800, s13  }
0x7: {  	s31 =	simm.s32 $0x3;
	s20 =	smul.u32 $0x2800, s14;
	s1 =	sor.u32 s21, s1  }
0x8: {  	[smem:$0x7FF] =	sst s2;
	s6 =	ssub.s32 $0x2, s4;
	s7 =	smul.u32 $0xFA0, s1  }
0x9: {  	s5 =	sadd.s32 $0x20E00, s3;
	s8 =	sshrl.u32 s6, $0x1;
	s9 =	smul.u32 $0x7D00, s1  }
0xa: {  	s2 =	sadd.s32 $0x1A00, s3;
	s1 =	ssub.s32 s6, s8;
	s8 =	smul.u32 $0x138800, s4  }
0xb: {  	s3 =	sadd.s32 $0x40200, s3;
	s6 =	sor.u32 $0x10, s21;
	s4 =	smul.u32 $0xFA0, s4  }
0xc: {  	s16 =	sor.u32 $0x60, s21;
	s19 =	sor.u32 $0x70, s21;
	s15 =	smul.u32 $0x2800, s6  }
0xd: {  	p0 =	sgt.u32 s21, $0xC;
	s6 =	smul.u32 $0xA000, s6;
	s1 =	smax.u32 s1, $0x1  }
0xe: {  	s12 =	sadd.s32 s12, s8;
	s23 =	sadd.s32 s8, s17;
	s24 =	sadd.s32 s8, s18  }
0xf: {  	s18 =	smul.u32 $0x2800, s16;
	s12 =	sshrl.u32 s12, $0x3;
	s15 =	sadd.s32 s8, s15  }
0x10: {  	s17 =	sshrl.u32 s24, $0x3;
	s24 =	smul.u32 $0xFA, s21;
	s12 =	sadd.s32 s3, s12  }
0x11: {  	s22 =	sshrl.u32 s15, $0x3;
	s15 =	sshrl.u32 s23, $0x3;
	s28 =	sadd.s32 s3, s17  }
0x12: {  	s17 =	sadd.s32 s8, s20;
	s20 =	smul.u32 $0x2800, s19;
	s23 =	sadd.s32 s8, s18  }
0x13: {  	s18 =	smul.u32 $0xA000, s13;
	[dreg:$0x4] =	wrdreg s12;
	s12 =	sadd.s32 s3, s22  }
0x14: {  	s26 =	sadd.s32 s3, s15;
	[dreg:$0x7] =	wrdreg s28;
	s15 =	sadd.s32 s8, s25  }
0x15: {  	s25 =	sadd.s32 s5, s7;
	s7 =	sadd.s32 s2, s7;
	[dreg:$0x5] =	wrdreg s12  }
0x16: {  	s4 =	sadd.s32 s24, s4;
	s24 =	smul.u32 $0xA000, s19;
	[dreg:$0x6] =	wrdreg s26  }
0x17: {  	s12 =	sshrl.u32 s15, $0x3;
	s15 =	sshrl.u32 s17, $0x3;
	[dreg:$0xc] =	wrdreg s25  }
0x18: {  	s8 =	sadd.s32 s8, s20;
	s26 =	sshrl.u32 s9, $0x3;
	[dreg:$0xd] =	wrdreg s7  }
0x19: {  	s4 =	sshll.u32 s4, $0x4;
	s7 =	smul.u32 $0xA000, s10;
	s17 =	rddreg [dreg:$0x2]  }
0x1a: {  	s10 =	smul.u32 $0xA000, s21;
	s20 =	sshrl.u32 s6, $0x2;
	s12 =	sadd.s32 s3, s12  }
0x1b: {  	s22 =	sadd.s32 s3, s15;
	s8 =	sshrl.u32 s8, $0x3;
	[dreg:$0x8] =	wrdreg s12  }
0x1c: {  	s4 =	sadd.s32 $0xA0, s4;
	s9 =	sadd.s32 s20, s17;
	[dreg:$0x9] =	wrdreg s22  }
0x1d: {  	s12 =	sshrl.u32 s23, $0x3;
	s15 =	sshrl.u32 s10, $0x2;
	s22 =	smul.u32 $0xA000, s14  }
0x1e: {  	s23 =	smul.u32 $0xA000, s16;
	s12 =	sadd.s32 s3, s12;
	s3 =	sadd.s32 s3, s8  }
0x1f: {  	s8 =	sadd.s32 s15, s17;
	s15 =	simm.s32 $0x50;
	[dreg:$0xa] =	wrdreg s12  }
0x20: {  	[dreg:$0xb] =	wrdreg s3;
	s3 =	sadd.s32 $0xA0, s26;
	s12 =	smul.u32 $0xA000, s11  }
0x21: {  	s25 =	sshrl.u32 s22, $0x2;
	s26 =	sshrl.u32 s23, $0x2;
	s28 =	sadd.s32 s5, s3  }
0x22: {  	s3 =	sadd.s32 s2, s3;
	s5 =	sadd.s32 s4, s5;
	[dreg:$0xe] =	wrdreg s28  }
0x23: {  	s2 =	sadd.s32 s4, s2;
	s13 =	sadd.s32 s25, s17;
	[dreg:$0xf] =	wrdreg s3  }
0x24: {  	s14 =	sadd.s32 s26, s17;
	s4 =	simm.s32 $0x5;
	[dreg:$0x10] =	wrdreg s5  }
0x25: {  	[dreg:$0x11] =	wrdreg s2;
	s3 =	sshrl.u32 s7, $0x2;
	s2 =	sshrl.u32 s12, $0x2  }
0x26: {  	s5 =	sshrl.u32 s18, $0x2;
	_ =	strace $0x8000004A;
	[dreg:$0x16] =	wrdreg s1  }
0x27: {  	s28 =	sshrl.u32 s24, $0x2;
	s7 =	simm.s32 $0x0;
	[dreg:$0x13] =	wrdreg s13  }
0x28: {  	s10 =	sadd.s32 s3, s17;
	s12 =	sadd.s32 s5, s17;
	[dreg:$0x14] =	wrdreg s14  }
0x29: {  	s11 =	sadd.s32 s2, s17;
	s16 =	sadd.s32 s28, s17;
	[dreg:$0x12] =	wrdreg s12  }
0x2a: {  	v0 =	vimm.f32 $0.0e+00;
	s1 =	simm.s32 $0x3C00;
	s3 =	simm.s32 $0x4;
	[dreg:$0x15] =	wrdreg s16  }
.LBB2_1:
0x2b: {  	s2 =	simm.s32 $0x0;
	s5 =	rddreg [dreg:$0xc]  }
0x2c: {  	[tilespmem:s2], [sflag:$0x8] =	stream.linear.gather [hbm4b:s5+s2], $0x500, $0x38;
	[tilespmem:$0x19C80] =	vst v63  }
0x2d: {  	_ =	swait.ge [sflag:s29], $0x500  }
0x2e: {  	[sflag:s29] =	ssyncset.done $0x0  }
0x2f: {  	s6 =	simm.s32 $0xA00;
	s23 =	rddreg [dreg:$0xd];
	[sflag:s29] =	ssyncadd.s32 $0xFFFFFB00  }
0x30: {  	[tilespmem:s6], [sflag:$0x8] =	stream.linear.gather [hbm4b:s23+s2], $0x500, $0x38;
	[tilespmem:$0x19C80] =	vst v63  }
0x31: {  	_ =	swait.ge [sflag:s29], $0x500  }
0x32: {  	[sflag:s29] =	ssyncset.done $0x0  }
0x33: {  	s25 =	simm.s32 $0x500;
	s24 =	rddreg [dreg:$0xe];
	[sflag:s29] =	ssyncadd.s32 $0xFFFFFB00  }
0x34: {  	[tilespmem:s25], [sflag:$0x1] =	stream.linear.gather [hbm4b:s24+s2], $0x500, $0x38;
	[tilespmem:$0x19C80] =	vst v63  }
0x35: {  	s28 =	simm.s32 $0xF00;
	s26 =	rddreg [dreg:$0xf]  }
0x36: {  	[tilespmem:s28], [sflag:$0x2] =	stream.linear.gather [hbm4b:s26+s2], $0x500, $0x38;
	[tilespmem:$0x19C80] =	vst v63  }
0x37: {  	s5 =	simm.s32 $0x200;
	s2 =	simm.s32 $0x0  }
.LBB2_2:
0x38: {  	p1 =	sne.s32 s5, $0x9E00;
	[tilespmem:s2+$0x1470] =	vst v0  }
0x39: {  	[tilespmem:s2+$0x1400] =	vst v0  }
0x3a: {  	[tilespmem:s2+$0x1410] =	vst v0  }
.Ltmp0:
0x3b: {  	[tilespmem:s2+$0x1420] =	vst v0;
	(pc) =	sbr.rel @p1 .LBB2_2-.Ltmp0, $4  }
0x3c: {  	[tilespmem:s2+$0x1430] =	vst v0  }
0x3d: {  	[tilespmem:s2+$0x1440] =	vst v0  }
0x3e: {  	[tilespmem:s2+$0x1450] =	vst v0  }
0x3f: {  	[tilespmem:s2+$0x1460] =	vst v0;
	s2 =	sshra.s32 s5, $0x2;
	s5 =	sadd.s32 $0x200, s5  }
0x40: {  	[tilespmem:s2+$0x1470] =	vst v0  }
0x41: {  	[tilespmem:s2+$0x1400] =	vst v0  }
0x42: {  	[tilespmem:s2+$0x1410] =	vst v0  }
0x43: {  	[tilespmem:s2+$0x1420] =	vst v0  }
0x44: {  	[tilespmem:s2+$0x1430] =	vst v0  }
0x45: {  	[tilespmem:s2+$0x1440] =	vst v0  }
0x46: {  	[tilespmem:s2+$0x1450] =	vst v0  }
0x47: {  	[tilespmem:s2+$0x1460] =	vst v0  }
0x48: {  	[spmem:s8] =	stream.linear.scatter [tilespmem:s30], [sflag:$0x3], $0x2800, $0x38;
	[tilespmem:$0x19C80] =	vst v63  }
0x49: {  	_ = 	snop  }
0x4a: {  	[spmem:s9] =	stream.linear.scatter [tilespmem:s30], [sflag:$0x3], $0x2800, $0x38;
	[tilespmem:$0x19C80] =	vst v63  }
0x4b: {  	_ = 	snop  }
0x4c: {  	[spmem:s10] =	stream.linear.scatter [tilespmem:s30], [sflag:$0x3], $0x2800, $0x38;
	[tilespmem:$0x19C80] =	vst v63  }
0x4d: {  	_ = 	snop  }
0x4e: {  	[spmem:s11] =	stream.linear.scatter [tilespmem:s30], [sflag:$0x3], $0x2800, $0x38;
	[tilespmem:$0x19C80] =	vst v63  }
0x4f: {  	_ = 	snop  }
0x50: {  	[spmem:s12] =	stream.linear.scatter [tilespmem:s30], [sflag:$0x3], $0x2800, $0x38;
	[tilespmem:$0x19C80] =	vst v63  }
0x51: {  	_ = 	snop  }
0x52: {  	[spmem:s13] =	stream.linear.scatter [tilespmem:s30], [sflag:$0x3], $0x2800, $0x38;
	[tilespmem:$0x19C80] =	vst v63  }
0x53: {  	_ = 	snop  }
0x54: {  	[spmem:s14] =	stream.linear.scatter [tilespmem:s30], [sflag:$0x3], $0x2800, $0x38;
	[tilespmem:$0x19C80] =	vst v63  }
0x55: {  	s2 =	simm.s32 @!p0 $0x1400  }
0x56: {  	[spmem:s16] =	stream.linear.scatter @!p0 [tilespmem:s2], [sflag:$0x3], $0x2800, $0x38;
	[tilespmem:$0x19C80] =	vst v63  }
0x57: {  	_ =	swait.ge [sflag:s31], $0x2800  }
0x58: {  	[sflag:s31] =	ssyncset.done $0x0  }
0x59: {  	[sflag:s31] =	ssyncadd.s32 $0xFFFFD800  }
0x5a: {  	_ =	swait.ge [sflag:s31], $0x2800  }
0x5b: {  	[sflag:s31] =	ssyncset.done $0x0  }
0x5c: {  	[sflag:s31] =	ssyncadd.s32 $0xFFFFD800  }
0x5d: {  	_ =	swait.ge [sflag:s31], $0x2800  }
0x5e: {  	[sflag:s31] =	ssyncset.done $0x0  }
0x5f: {  	[sflag:s31] =	ssyncadd.s32 $0xFFFFD800  }
0x60: {  	_ =	swait.ge [sflag:s31], $0x2800  }
0x61: {  	[sflag:s31] =	ssyncset.done $0x0  }
0x62: {  	[sflag:s31] =	ssyncadd.s32 $0xFFFFD800  }
0x63: {  	_ =	swait.ge [sflag:s31], $0x2800  }
0x64: {  	[sflag:s31] =	ssyncset.done $0x0  }
0x65: {  	[sflag:s31] =	ssyncadd.s32 $0xFFFFD800  }
0x66: {  	_ =	swait.ge [sflag:s31], $0x2800  }
0x67: {  	[sflag:s31] =	ssyncset.done $0x0  }
0x68: {  	[sflag:s31] =	ssyncadd.s32 $0xFFFFD800  }
0x69: {  	s23 =	smov.u32 s8;
	s24 =	smov.u32 s9;
	_ =	swait.ge [sflag:s31], $0x2800  }
0x6a: {  	s25 =	smov.u32 s10;
	s26 =	smov.u32 s11;
	[sflag:s31] =	ssyncset.done $0x0  }
0x6b: {  	s6 =	simm.s32 $0x0;
	s2 =	simm.s32 @!p0 $0x3;
	[sflag:s31] =	ssyncadd.s32 $0xFFFFD800  }
0x6c: {  	p1 =	por $0x1, $0x1;
	s5 =	simm.s32 $0x4;
	_ =	swait.ge @!p0 [sflag:s2], $0x2800  }
0x6d: {  	s8 =	simm.s32 $0x2;
	s20 =	smul.u32 $0xCD, s6;
	[sflag:s2] =	ssyncset.done @!p0 $0x0  }
0x6e: {  	s9 =	sor.u32 $0x1, s8;
	[sflag:s2] =	ssyncadd.s32 @!p0 $0xFFFFD800;
	s2 =	smul.u32 @!p1 $0xFFFFFFCD, s6  }
0x6f: {  	s21 =	sshrl.u32 s20, $0xC;
	s12 =	simm.s32 $0x1;
	p1 =	por p1, p1  }
0x70: {  	s13 =	sor.u32 $0x1, s6;
	[bflag:$0x0] =	sbarrier.arrive $0xFFFF;
	s2 =	sand.u32 @!p1 $0xFF, s2  }
0x71: {  	s28 =	simm.s32 @!p1 $0x7;
	s19 =	simm.s32 @!p1 $0x6;
	p3 =	sgt.u32 @!p1 s2, $0x33  }
0x72: {  	s18 =	rddreg [dreg:$0x11];
	s2 =	sand.u32 $0xF, s21;
	p2 =	por p3, p1  }
0x73: {  	s16 =	rddreg [dreg:$0x10];
	s22 =	smul.u32 $0x14, s2;
	p4 =	por @!p2 $0x0, $0x0  }
0x74: {  	s10 =	sadd.s32 $0x20, s18;
	p5 =	por @!p1 p4, p3;
	p4 =	por $0x0, $0x0  }
0x75: {  	s11 =	sadd.s32 $0x20, s16;
	s14 =	ssub.s32 $0x0, s22;
	s2 =	smul.u32 @!p4 $0xFFFFFFCD, s12  }
.LBB2_4:
0x76: {  	_ =	swait.ge @!p1 [sflag:s19], $0x2800;
	p5 =	por p5, p1  }
0x77: {  	s20 =	smov.u32 s5;
	s5 =	sadd.s32 $0x2, s5;
	s21 =	smov.u32 s16  }
0x78: {  	s16 =	smov.u32 s11;
	p3 =	por p1, p1;
	p1 =	por p4, p4  }
0x79: {  	s22 =	sand.u32 $0xFF, s13;
	s2 =	sand.u32 @!p1 $0xFF, s2;
	[sflag:s19] =	ssyncset.done @!p3 $0x0  }
0x7a: {  	p4 =	sgt.u32 @!p1 s2, $0x33;
	[sflag:s19] =	ssyncadd.s32 @!p3 $0xFFFFD800;
	s2 =	smul.u32 $0xCD, s22  }
0x7b: {  	s14 =	sand.u32 $0xFF, s14;
	s6 =	sadd.s32 @!p5 $0xA, s6;
	_ =	swait.ge @!p3 [sflag:s28], $0x2800  }
0x7c: {  	s19 =	smul.u32 @!p5 $0xCCCD, s6;
	[sflag:s28] =	ssyncset.done @!p3 $0x0;
	s2 =	sshrl.u32 s2, $0xC  }
0x7d: {  	s22 =	simm.s32 @!p2 $0x1;
	[sflag:s28] =	ssyncadd.s32 @!p3 $0xFFFFD800;
	s2 =	smul.u32 $0x14, s2  }
0x7e: {  	s19 =	sshrl.u32 @!p5 s19, $0x14;
	p3 =	sne.s32 s5, $0xFA;
	_ =	swait.ge @!p2 [sflag:s22], $0x500  }
0x7f: {  	s19 =	smul.u32 @!p5 $0x14, s19;
	[sflag:s22] =	ssyncset.done @!p2 $0x0;
	s2 =	ssub.s32 s13, s2  }
0x80: {  	s28 =	sor.u32 $0x1, s20;
	s13 =	simm.s32 @!p2 $0x2;
	[sflag:s22] =	ssyncadd.s32 @!p2 $0xFFFFFB00  }
0x81: {  	s6 =	ssub.s32 @!p5 s6, s19;
	s2 =	sand.u32 $0xFF, s2;
	_ =	swait.ge @!p2 [sflag:s13], $0x500  }
0x82: {  	s19 =	sshll.u32 @!p5 s6, $0x7;
	s6 =	smov.u32 s8;
	[sflag:s13] =	ssyncset.done @!p2 $0x0  }
0x83: {  	s8 =	sand.u32 @!p5 $0xFF80, s19;
	s19 =	simm.s32 @!p5 $0x0;
	[sflag:s13] =	ssyncadd.s32 @!p2 $0xFFFFFB00  }
0x84: {  	[tilespmem:s8], [sflag:$0x1] =	stream.linear.gather @!p5 [hbm4b:s21+s19], $0x500, $0x38;
	[tilespmem:$0x19C80] =	vst v63  }
0x85: {  	s13 =	smov.u32 s9;
	s21 =	sadd.s32 @!p5 $0xA00, s8;
	s8 =	smov.u32 s20  }
0x86: {  	[tilespmem:s21], [sflag:$0x2] =	stream.linear.gather @!p5 [hbm4b:s18+s19], $0x500, $0x38;
	[tilespmem:$0x19C80] =	vst v63  }
0x87: {  	s14 =	sshll.u32 s14, $0x7;
	s2 =	sshll.u32 s2, $0x7;
	s9 =	smov.u32 s28  }
0x88: {  	[tilespmem:s30], [sflag:$0x4] =	stream.indirect.gather [hbm4b:s0+s15], $0x80, s14, s15, $0xb8;
	[tilespmem:$0x19C80] =	vst v63  }
0x89: {  	p2 =	por p4, p1;
	s18 =	smov.u32 s10;
	s10 =	sadd.s32 $0x20, s10  }
0x8a: {  	s11 =	sadd.s32 $0x20, s11;
	p5 =	sgt.u32 @!p2 s12, $0x77;
	s19 =	smul.u32 $0xCD, s6  }
0x8b: {  	[tilespmem:s1], [sflag:$0x5] =	stream.indirect.gather [hbm4b:s0+s15], $0x80, s2, s15, $0xb8;
	[tilespmem:$0x19C80] =	vst v63  }
0x8c: {  	s12 =	sadd.s32 $0x1, s12;
	p5 =	por @!p1 p5, p4;
	_ =	swait.ge [sflag:s3], $0x2800  }
0x8d: {  	s19 =	sshrl.u32 s19, $0xC;
	s14 =	sadd.s32 $0xA00, s14;
	[sflag:s3] =	ssyncset.done $0x0  }
0x8e: {  	s20 =	sadd.s32 $0xA00, s2;
	s19 =	sand.u32 $0xF, s19;
	[sflag:s3] =	ssyncadd.s32 $0xFFFFD800  }
0x8f: {  	[spmem:s17] =	stream.indirect.scatter.add.f32 [tilespmem:s30], [sflag:$0x6], $0x80, s14, s15, $0xb8;
	[tilespmem:$0x19C80] =	vst v63  }
.Ltmp1:
0x90: {  	_ = 	snop;
	(pc) =	sbr.rel @p3 .LBB2_4-.Ltmp1, $4  }
0x91: {  	s28 =	simm.s32 @!p1 $0x7;
	s14 =	smul.u32 $0x14, s19;
	_ =	swait.ge [sflag:s4], $0x2800  }
0x92: {  	p4 =	seq.s32 s8, $0x0;
	s19 =	simm.s32 @!p1 $0x6;
	[sflag:s4] =	ssyncset.done $0x0  }
0x93: {  	s2 =	smul.u32 @!p4 $0xFFFFFFCD, s12;
	s14 =	ssub.s32 s6, s14;
	[sflag:s4] =	ssyncadd.s32 $0xFFFFD800  }
0x94: {  	[spmem:s17] =	stream.indirect.scatter.add.f32 [tilespmem:s1], [sflag:$0x7], $0x80, s20, s15, $0xb8;
	[tilespmem:$0x19C80] =	vst v63  }
0x95: {  	_ =	swait.ge @!p1 [sflag:s19], $0x2800;
	p3 =	por p1, p1;
	p1 =	por p5, p1  }
0x96: {  	[sflag:s19] =	ssyncset.done @!p3 $0x0;
	s5 =	sadd.s32 @!p1 $0xA, s6  }
0x97: {  	[sflag:s19] =	ssyncadd.s32 @!p3 $0xFFFFD800;
	s6 =	smul.u32 @!p1 $0xCCCD, s5  }
0x98: {  	_ =	swait.ge @!p3 [sflag:s28], $0x2800  }
0x99: {  	[sflag:s28] =	ssyncset.done @!p3 $0x0;
	s6 =	sshrl.u32 @!p1 s6, $0x14  }
0x9a: {  	s19 =	simm.s32 @!p2 $0x1;
	[sflag:s28] =	ssyncadd.s32 @!p3 $0xFFFFD800;
	s6 =	smul.u32 @!p1 $0x14, s6  }
0x9b: {  	_ =	swait.ge @!p2 [sflag:s19], $0x500  }
0x9c: {  	s21 =	sand.u32 $0xFF, s13;
	[sflag:s19] =	ssyncset.done @!p2 $0x0;
	s5 =	ssub.s32 @!p1 s5, s6  }
0x9d: {  	s6 =	smul.u32 $0xCD, s21;
	[sflag:s19] =	ssyncadd.s32 @!p2 $0xFFFFFB00;
	s19 =	simm.s32 @!p2 $0x2  }
0x9e: {  	s5 =	sshll.u32 @!p1 s5, $0x7;
	_ =	swait.ge @!p2 [sflag:s19], $0x500  }
0x9f: {  	s5 =	sand.u32 @!p1 $0xFF80, s5;
	s6 =	sshrl.u32 s6, $0xC;
	[sflag:s19] =	ssyncset.done @!p2 $0x0  }
0xa0: {  	s6 =	smul.u32 $0x14, s6;
	[sflag:s19] =	ssyncadd.s32 @!p2 $0xFFFFFB00;
	s19 =	simm.s32 @!p1 $0x0  }
0xa1: {  	[tilespmem:s5], [sflag:$0x1] =	stream.linear.gather @!p1 [hbm4b:s16+s19], $0x500, $0x38;
	[tilespmem:$0x19C80] =	vst v63  }
0xa2: {  	s28 =	sand.u32 $0xFF, s14;
	s5 =	sadd.s32 @!p1 $0xA00, s5;
	s22 =	ssub.s32 s13, s6  }
0xa3: {  	[tilespmem:s5], [sflag:$0x2] =	stream.linear.gather @!p1 [hbm4b:s18+s19], $0x500, $0x38;
	[tilespmem:$0x19C80] =	vst v63  }
0xa4: {  	s6 =	sshll.u32 s28, $0x7;
	s5 =	sand.u32 $0xFF, s22  }
0xa5: {  	[tilespmem:s30], [sflag:$0x4] =	stream.indirect.gather [hbm4b:s0+s15], $0x80, s6, s15, $0xb8;
	[tilespmem:$0x19C80] =	vst v63  }
0xa6: {  	s5 =	sshll.u32 s5, $0x7  }
0xa7: {  	[tilespmem:s1], [sflag:$0x5] =	stream.indirect.gather [hbm4b:s0+s15], $0x80, s5, s15, $0xb8;
	[tilespmem:$0x19C80] =	vst v63  }
0xa8: {  	_ =	swait.ge [sflag:s3], $0x2800  }
0xa9: {  	p2 =	por p4, p4;
	[sflag:s3] =	ssyncset.done $0x0  }
0xaa: {  	s2 =	sand.u32 @!p2 $0xFF, s2;
	s6 =	sadd.s32 $0xA00, s6;
	[sflag:s3] =	ssyncadd.s32 $0xFFFFD800  }
0xab: {  	[spmem:s17] =	stream.indirect.scatter.add.f32 [tilespmem:s30], [sflag:$0x6], $0x80, s6, s15, $0xb8;
	[tilespmem:$0x19C80] =	vst v63  }
0xac: {  	p3 =	sgt.u32 @!p2 s2, $0x33;
	_ =	swait.ge [sflag:s4], $0x2800  }
0xad: {  	p1 =	por p3, p2;
	[sflag:s4] =	ssyncset.done $0x0  }
0xae: {  	s6 =	sadd.s32 $0xA00, s5;
	s5 =	simm.s32 @!p2 $0x6;
	[sflag:s4] =	ssyncadd.s32 $0xFFFFD800  }
0xaf: {  	[spmem:s17] =	stream.indirect.scatter.add.f32 [tilespmem:s1], [sflag:$0x7], $0x80, s6, s15, $0xb8;
	[tilespmem:$0x19C80] =	vst v63  }
0xb0: {  	p5 =	por p2, p2;
	p4 =	sgt.u32 @!p1 s12, $0x77;
	_ =	swait.ge @!p2 [sflag:s5], $0x2800  }
0xb1: {  	p3 =	por @!p2 p4, p3;
	[sflag:s5] =	ssyncset.done @!p5 $0x0  }
0xb2: {  	s2 =	simm.s32 @!p2 $0x7;
	p2 =	por p3, p2;
	[sflag:s5] =	ssyncadd.s32 @!p5 $0xFFFFD800  }
0xb3: {  	s5 =	sadd.s32 @!p2 $0xA, s8;
	_ =	swait.ge @!p5 [sflag:s2], $0x2800  }
0xb4: {  	s6 =	smul.u32 @!p2 $0xCCCD, s5;
	[sflag:s2] =	ssyncset.done @!p5 $0x0  }
0xb5: {  	[sflag:s2] =	ssyncadd.s32 @!p5 $0xFFFFD800;
	s2 =	simm.s32 @!p1 $0x1  }
0xb6: {  	s6 =	sshrl.u32 @!p2 s6, $0x14;
	_ =	swait.ge @!p1 [sflag:s2], $0x500  }
0xb7: {  	s6 =	smul.u32 @!p2 $0x14, s6;
	[sflag:s2] =	ssyncset.done @!p1 $0x0  }
0xb8: {  	[sflag:s2] =	ssyncadd.s32 @!p1 $0xFFFFFB00;
	s2 =	simm.s32 @!p1 $0x2  }
0xb9: {  	s5 =	ssub.s32 @!p2 s5, s6;
	_ =	swait.ge @!p1 [sflag:s2], $0x500  }
0xba: {  	s5 =	sshll.u32 @!p2 s5, $0x7;
	[sflag:s2] =	ssyncset.done @!p1 $0x0  }
0xbb: {  	[sflag:s2] =	ssyncadd.s32 @!p1 $0xFFFFFB00;
	s2 =	sand.u32 @!p2 $0xFF80, s5;
	s5 =	simm.s32 @!p2 $0x0  }
0xbc: {  	[tilespmem:s2], [sflag:$0x1] =	stream.linear.gather @!p2 [hbm4b:s11+s5], $0x500, $0x38;
	[tilespmem:$0x19C80] =	vst v63  }
0xbd: {  	s12 =	sand.u32 $0xFF, s9;
	s2 =	sadd.s32 @!p2 $0xA00, s2;
	s11 =	smul.u32 $0xCD, s8  }
0xbe: {  	[tilespmem:s2], [sflag:$0x2] =	stream.linear.gather @!p2 [hbm4b:s10+s5], $0x500, $0x38;
	[tilespmem:$0x19C80] =	vst v63  }
0xbf: {  	s2 =	sshrl.u32 s11, $0xC;
	s5 =	smul.u32 $0xCD, s12  }
0xc0: {  	s2 =	sand.u32 $0xF, s2  }
0xc1: {  	s2 =	smul.u32 $0x14, s2;
	s5 =	sshrl.u32 s5, $0xC  }
0xc2: {  	s5 =	smul.u32 $0x14, s5  }
0xc3: {  	s2 =	ssub.s32 s8, s2  }
0xc4: {  	s5 =	ssub.s32 s9, s5;
	s2 =	sand.u32 $0xFF, s2  }
0xc5: {  	s5 =	sand.u32 $0xFF, s5;
	s2 =	sshll.u32 s2, $0x7  }
0xc6: {  	[tilespmem:s30], [sflag:$0x4] =	stream.indirect.gather [hbm4b:s0+s15], $0x80, s2, s15, $0xb8;
	[tilespmem:$0x19C80] =	vst v63  }
0xc7: {  	s5 =	sshll.u32 s5, $0x7  }
0xc8: {  	[tilespmem:s1], [sflag:$0x5] =	stream.indirect.gather [hbm4b:s0+s15], $0x80, s5, s15, $0xb8;
	[tilespmem:$0x19C80] =	vst v63  }
0xc9: {  	_ =	swait.ge [sflag:s3], $0x2800  }
0xca: {  	[sflag:s3] =	ssyncset.done $0x0  }
0xcb: {  	s2 =	sadd.s32 $0xA00, s2;
	[sflag:s3] =	ssyncadd.s32 $0xFFFFD800  }
0xcc: {  	[spmem:s17] =	stream.indirect.scatter.add.f32 [tilespmem:s30], [sflag:$0x6], $0x80, s2, s15, $0xb8;
	[tilespmem:$0x19C80] =	vst v63  }
0xcd: {  	_ =	swait.ge [sflag:s4], $0x2800  }
0xce: {  	[sflag:s4] =	ssyncset.done $0x0  }
0xcf: {  	s14 =	simm.s32 $0x6;
	s13 =	sadd.s32 $0xA00, s5;
	[sflag:s4] =	ssyncadd.s32 $0xFFFFD800  }
0xd0: {  	[spmem:s17] =	stream.indirect.scatter.add.f32 [tilespmem:s1], [sflag:$0x7], $0x80, s13, s15, $0xb8;
	[tilespmem:$0x19C80] =	vst v63  }
0xd1: {  	_ =	swait.ge [sflag:s14], $0x2800  }
0xd2: {  	[sflag:s14] =	ssyncset.done $0x0  }
0xd3: {  	s16 =	simm.s32 $0x7;
	[sflag:s14] =	ssyncadd.s32 $0xFFFFD800  }
0xd4: {  	_ =	swait.ge [sflag:s16], $0x2800  }
0xd5: {  	[sflag:s16] =	ssyncset.done $0x0  }
0xd6: {  	s18 =	stileid.u32;
	[sflag:s16] =	ssyncadd.s32 $0xFFFFD800  }
0xd7: {  	s2 =	sshll.u32 s18, $0x6;
	[bflag:$0x0] =	sbarrier.arrive $0xFFFF  }
0xd8: {  	s19 =	sshrl.u32 s23, $0x3;
	s2 =	sor.u32 $0x1C03, s2;
	s20 =	rddreg [dreg:$0x4]  }
0xd9: {  	[hbm:s20], [sflag:s2] =	dma.local [spmem:s19], $0x500  }
0xda: {  	s21 =	sshrl.u32 s24, $0x3;
	s6 =	rddreg [dreg:$0x5]  }
0xdb: {  	[hbm:s6], [sflag:s2] =	dma.local [spmem:s21], $0x500  }
0xdc: {  	s22 =	sshrl.u32 s25, $0x3;
	s6 =	rddreg [dreg:$0x6]  }
0xdd: {  	[hbm:s6], [sflag:s2] =	dma.local [spmem:s22], $0x500  }
0xde: {  	s8 =	smov.u32 s23;
	s23 =	sshrl.u32 s26, $0x3;
	s6 =	rddreg [dreg:$0x7]  }
0xdf: {  	[hbm:s6], [sflag:s2] =	dma.local [spmem:s23], $0x500  }
0xe0: {  	s12 =	rddreg [dreg:$0x12]  }
0xe1: {  	s9 =	smov.u32 s24;
	s6 =	rddreg [dreg:$0x8];
	s24 =	sshrl.u32 s12, $0x3  }
0xe2: {  	[hbm:s6], [sflag:s2] =	dma.local [spmem:s24], $0x500  }
0xe3: {  	s13 =	rddreg [dreg:$0x13]  }
0xe4: {  	s10 =	smov.u32 s25;
	s6 =	rddreg [dreg:$0x9];
	s25 =	sshrl.u32 s13, $0x3  }
0xe5: {  	[hbm:s6], [sflag:s2] =	dma.local [spmem:s25], $0x500  }
0xe6: {  	s14 =	rddreg [dreg:$0x14]  }
0xe7: {  	s11 =	smov.u32 s26;
	s6 =	rddreg [dreg:$0xa];
	s26 =	sshrl.u32 s14, $0x3  }
0xe8: {  	[hbm:s6], [sflag:s2] =	dma.local [spmem:s26], $0x500  }
0xe9: {  	s16 =	rddreg [dreg:$0x15]  }
0xea: {  	s6 =	rddreg [dreg:$0xb];
	s5 =	sshrl.u32 @!p0 s16, $0x3  }
0xeb: {  	[hbm:s6], [sflag:s2] =	dma.local @!p0 [spmem:s5], $0x500  }
0xec: {  	_ =	swait.ge [sflag:s31], $0x500  }
0xed: {  	[sflag:s31] =	ssyncset.done $0x0  }
0xee: {  	[sflag:s31] =	ssyncadd.s32 $0xFFFFFB00  }
0xef: {  	_ =	swait.ge [sflag:s31], $0x500  }
0xf0: {  	[sflag:s31] =	ssyncset.done $0x0  }
0xf1: {  	[sflag:s31] =	ssyncadd.s32 $0xFFFFFB00  }
0xf2: {  	_ =	swait.ge [sflag:s31], $0x500  }
0xf3: {  	[sflag:s31] =	ssyncset.done $0x0  }
0xf4: {  	[sflag:s31] =	ssyncadd.s32 $0xFFFFFB00  }
0xf5: {  	_ =	swait.ge [sflag:s31], $0x500  }
0xf6: {  	[sflag:s31] =	ssyncset.done $0x0  }
0xf7: {  	[sflag:s31] =	ssyncadd.s32 $0xFFFFFB00  }
0xf8: {  	_ =	swait.ge [sflag:s31], $0x500  }
0xf9: {  	[sflag:s31] =	ssyncset.done $0x0  }
0xfa: {  	[sflag:s31] =	ssyncadd.s32 $0xFFFFFB00  }
0xfb: {  	_ =	swait.ge [sflag:s31], $0x500  }
0xfc: {  	[sflag:s31] =	ssyncset.done $0x0  }
0xfd: {  	[sflag:s31] =	ssyncadd.s32 $0xFFFFFB00  }
0xfe: {  	_ =	swait.ge [sflag:s31], $0x500  }
0xff: {  	[sflag:s31] =	ssyncset.done $0x0  }
0x100: {  	s2 =	simm.s32 @!p0 $0x3;
	[sflag:s31] =	ssyncadd.s32 $0xFFFFFB00  }
0x101: {  	_ =	swait.ge @!p0 [sflag:s2], $0x500  }
0x102: {  	s7 =	sadd.s32 $0x1, s7;
	s28 =	rddreg [dreg:$0x16]  }
0x103: {  	p1 =	sne.s32 s7, s28  }
.Ltmp2:
0x104: {  	_ = 	snop;
	(pc) =	sbr.rel @p1 .LBB2_1-.Ltmp2, $3  }
0x105: {  	_ =	sdelay $0x1  }
0x106: {  	[sflag:s2] =	ssyncset.done @!p0 $0x0  }
0x107: {  	[sflag:s2] =	ssyncadd.s32 @!p0 $0xFFFFFB00  }
0x108: {  	_ =	sfence.sel $0x180000  }
0x109: {  	[bflag:$0x0] =	sbarrier.arrive $0xFFFF  }
0x10a: {  	_ =	strace $0x9000004A  }
0x10b: {  	s0 =	stileid.u32;
	[bflag:$0x2] =	sbarrier.arrive $0xFFFF  }
0x10c: {  	p0 =	sne.s32 s0, $0x0;
	s0 =	rddreg [dreg:$0x3]  }
0x10d: {  	s0 =	sadd.s32 @!p0 $0x100000, s0  }
0x10e: {  	[sflag:s0] =	ssyncadd.tile.s32 @!p0 $0x1;
	_ =	shalt  }
.Lfunc_end2:
_tile_overlayer_lowered:
.L_overlay_start_2:
0x10f: {  	(tag) =	ssettag $0x2  }
0x110: {  	s0 =	rddreg [dreg:$0x0];
	s2 =	stileid.u32  }
0x111: {  	s1 =	rddreg [dreg:$0x1];
	p0 =	sne.s32 s2, $0x0  }
0x112: {  	s3 =	rddreg [dreg:$0x2];
	[bflag:$0x3] =	sbarrier.arrive $0xFFFF;
	s2 =	simm.s32 @!p0 $0x1C08  }
0x113: {  	[timem:s3], [sflag:s2] =	dma.local @!p0 [hbm:s0], s1  }
0x114: {  	s0 =	simm.s32 @!p0 $0x8  }
0x115: {  	_ =	swait.ge @!p0 [sflag:s0], s1  }
0x116: {  	s1 =	ssub.s32 @!p0 $0x0, s1;
	[sflag:s0] =	ssyncset.done @!p0 $0x0  }
0x117: {  	[sflag:s0] =	ssyncadd.s32 @!p0 s1  }
0x118: {  	[bflag:$0x3] =	sbarrier.arrive $0xFFFF  }
0x119: {  	_ =	shalt  }

</sc_bundles>
